<compile_context>
chip_gen: v7x
topology: tpu7x:2x2x1
jax: 0.10.2.dev20260603
libtpu: 0.0.44.dev20260713+nightly
codegen_flags: <defaults>
</compile_context>

<pallas_src>
import functools

import jax
import jax.numpy as jnp
from jax import lax
from jax.experimental import pallas as pl
from jax.experimental.pallas import tpu as pltpu
from jax.experimental.pallas import tpu_sc as plsc

N = 10000
E = 320000
D = 128
DH = D // 2
NSN0 = 2000
NDST2 = 7000

NC = 2
NS = 16
EPT = E // NS
CH = 128
NCH = -(-EPT // CH)
EPT_PAD = NCH * CH
N_PAD = 10240
RPT = N_PAD // NS
OUT2_PAD = 2048
DEGW = 16


def _make_sc_agg(out_rows: int, with_deg: bool):
  mesh = plsc.VectorSubcoreMesh(
      core_axis_name="c", subcore_axis_name="s", num_cores=NC,
      num_subcores=NS)

  out_type = [jax.ShapeDtypeStruct((NC, out_rows, DH), jnp.float32)]
  if with_deg:
    out_type.append(jax.ShapeDtypeStruct((NC, N_PAD, DEGW), jnp.float32))

  scratch = [
      pltpu.VMEM((NCH, CH), jnp.int32),
      pltpu.VMEM((NCH, CH), jnp.int32),
      pltpu.VMEM((CH, DH), jnp.float32),
      pltpu.VMEM((CH, DH), jnp.float32),
      pltpu.VMEM((CH, DH), jnp.float32),
      pltpu.VMEM((CH, DH), jnp.float32),
      pltpu.VMEM((CH, DEGW), jnp.float32),
      pltpu.VMEM_SHARED((N_PAD, DH), jnp.float32),
      pltpu.VMEM_SHARED((N_PAD, DEGW), jnp.float32),
      pltpu.SemaphoreType.DMA,
      pltpu.SemaphoreType.DMA,
      pltpu.SemaphoreType.DMA,
      pltpu.SemaphoreType.DMA,
      pltpu.SemaphoreType.DMA,
  ]

  @functools.partial(
      pl.kernel, out_type=tuple(out_type), mesh=mesh,
      scratch_types=tuple(scratch),
      compiler_params=pltpu.CompilerParams(use_tc_tiling_on_sc=False))
  def sc_agg(tab0_hbm, tab1_hbm, src_hbm, dst_hbm, zrow_hbm, zdeg_hbm,
             ones_hbm, *refs):
    if with_deg:
      acc_out, deg_out = refs[0], refs[1]
      rest = refs[2:]
    else:
      acc_out = refs[0]
      deg_out = None
      rest = refs[1:]
    (src_v, dst_v, rows0, rows1, rows2, rows3, ones_v, acc_sh, deg_sh,
     sem0, sem1, sem2, sem3, semd) = rest
    bufs = (rows0, rows1, rows2, rows3)
    sems = (sem0, sem1, sem2, sem3)

    c = lax.axis_index("c")
    s = lax.axis_index("s")
    on_core0 = c == 0

    r0 = s * RPT
    pltpu.sync_copy(zrow_hbm.at[pl.ds(r0, RPT)], acc_sh.at[pl.ds(r0, RPT)])
    if with_deg:
      pltpu.sync_copy(zdeg_hbm.at[pl.ds(r0, RPT)], deg_sh.at[pl.ds(r0, RPT)])
      pltpu.sync_copy(ones_hbm, ones_v)

    pltpu.sync_copy(src_hbm.at[s], src_v)
    pltpu.sync_copy(dst_hbm.at[s], dst_v)
    plsc.subcore_barrier()

    def gather(j, rows, sem):
      @pl.when(on_core0)
      def _():
        pltpu.async_copy(tab0_hbm.at[src_v.at[j]], rows, sem)

      @pl.when(jnp.logical_not(on_core0))
      def _():
        pltpu.async_copy(tab1_hbm.at[src_v.at[j]], rows, sem)

    def drain(rows, sem):
      pltpu.make_async_copy(zrow_hbm.at[pl.ds(0, CH)], rows, sem).wait()

    for b in range(3):
      gather(b, bufs[b], sems[b])

    def step(j, _):
      for b in range(4):
        @pl.when(lax.rem(j, 4) == b)
        def _(b=b):
          drain(bufs[b], sems[b])
          pltpu.async_copy(bufs[b], acc_sh.at[dst_v.at[j]], sems[b],
                           add=True)
          nb = (b + 3) % 4

          @pl.when(jnp.logical_and(j >= 1, j + 3 < NCH))
          def _():
            drain(bufs[nb], sems[nb])

          @pl.when(j + 3 < NCH)
          def _():
            gather(j + 3, bufs[nb], sems[nb])

      if with_deg:
        @pl.when(lax.rem(j, 2) == c)
        def _():
          @pl.when(j >= 2)
          def _():
            pltpu.make_async_copy(zdeg_hbm.at[pl.ds(0, CH)], ones_v,
                                  semd).wait()
          pltpu.async_copy(ones_v, deg_sh.at[dst_v.at[j]], semd, add=True)
      return 0

    lax.fori_loop(0, NCH, step, 0)
    for k in range(NCH - 4, NCH):
      drain(bufs[k % 4], sems[k % 4])
    if with_deg:
      pltpu.make_async_copy(zdeg_hbm.at[pl.ds(0, CH)], ones_v, semd).wait()
    plsc.subcore_barrier()

    opt = out_rows // NS
    o0 = s * opt
    pltpu.sync_copy(acc_sh.at[pl.ds(o0, opt)], acc_out.at[c, pl.ds(o0, opt)])
    if with_deg:
      pltpu.sync_copy(deg_sh.at[pl.ds(r0, RPT)],
                      deg_out.at[c, pl.ds(r0, RPT)])

  return sc_agg


_sc_agg_layer1 = _make_sc_agg(out_rows=N_PAD, with_deg=True)
_sc_agg_layer2 = _make_sc_agg(out_rows=OUT2_PAD, with_deg=False)


def _tc_combine_linear(accp, deg, x0, x1, wt, b, adj, out_rows, block,
                       split_out):
  grid = (out_rows // block,)

  def body(adj_ref, accp_ref, deg_ref, x0_ref, x1_ref, wt_ref, b_ref,
           *out_refs):
    dinv = 1.0 / jnp.maximum(deg_ref[0, :, 0:1] + deg_ref[1, :, 0:1], 1.0)
    mean = jnp.concatenate([accp_ref[0] * dinv, accp_ref[1] * dinv], axis=-1)
    xr = jnp.concatenate([x0_ref[...], x1_ref[...]], axis=-1)
    h = (jnp.dot(mean, wt_ref[:D], preferred_element_type=jnp.float32)
         + jnp.dot(xr, wt_ref[D:], preferred_element_type=jnp.float32)
         + b_ref[...])
    h = jnp.maximum(h, 0.0) + adj_ref[0]
    if split_out:
      out_refs[0][...] = h[:, :DH]
      out_refs[1][...] = h[:, DH:]
    else:
      out_refs[0][...] = h

  if split_out:
    out_specs = [pl.BlockSpec((block, DH), lambda i: (i, 0)),
                 pl.BlockSpec((block, DH), lambda i: (i, 0))]
    out_shape = [jax.ShapeDtypeStruct((out_rows, DH), jnp.float32),
                 jax.ShapeDtypeStruct((out_rows, DH), jnp.float32)]
  else:
    out_specs = pl.BlockSpec((block, D), lambda i: (i, 0))
    out_shape = jax.ShapeDtypeStruct((out_rows, D), jnp.float32)

  return pl.pallas_call(
      body,
      grid=grid,
      in_specs=[
          pl.BlockSpec(memory_space=pltpu.SMEM),
          pl.BlockSpec((NC, block, DH), lambda i: (0, i, 0)),
          pl.BlockSpec((NC, block, DEGW), lambda i: (0, i, 0)),
          pl.BlockSpec((block, DH), lambda i: (i, 0)),
          pl.BlockSpec((block, DH), lambda i: (i, 0)),
          pl.BlockSpec((2 * D, D), lambda i: (0, 0)),
          pl.BlockSpec((1, D), lambda i: (0, 0)),
      ],
      out_specs=out_specs,
      out_shape=out_shape,
  )(adj, accp, deg, x0, x1, wt, b)


def kernel(x, edge_index, num_sampled_nodes, num_sampled_edges, W1, b1, W2,
           b2):
  pad = EPT_PAD - EPT
  src = jnp.pad(edge_index[0].reshape(NS, EPT), ((0, 0), (0, pad)),
                constant_values=0).reshape(NS, NCH, CH)
  dst = jnp.pad(edge_index[1].reshape(NS, EPT), ((0, 0), (0, pad)),
                constant_values=N_PAD - 1).reshape(NS, NCH, CH)
  x0 = x[:, :DH]
  x1 = x[:, DH:]

  zrow = jnp.zeros((N_PAD, DH), jnp.float32)
  zdeg = jnp.zeros((N_PAD, DEGW), jnp.float32)
  ones = jnp.ones((CH, DEGW), jnp.float32)

  zadj = jnp.zeros((1,), jnp.float32)
  adjust = ((num_sampled_nodes.sum() - N)
            + (num_sampled_nodes[-2] - (N - NDST2))
            + (num_sampled_nodes[0] - NSN0)).astype(jnp.float32).reshape(1)

  accp1, degp = _sc_agg_layer1(x0, x1, src, dst, zrow, zdeg, ones)
  h0, h1 = _tc_combine_linear(accp1, degp, x0, x1, W1.T, b1.reshape(1, D),
                              zadj, out_rows=N, block=1000, split_out=True)

  accp2 = _sc_agg_layer2(h0, h1, src, dst, zrow, zdeg, ones)[0]
  out = _tc_combine_linear(accp2, degp, h0, h1, W2.T, b2.reshape(1, D),
                           adjust, out_rows=NSN0, block=1000,
                           split_out=False)
  return out

# --- scband reference (transcript-rebuilt; emitter-appended) ---
"""Pipeline reference for scband-cu-graph-sage-24704651886717 (READ-ONLY COPY).

The authoritative reference and input builder live on the scoring server;
editing this copy changes nothing except your own understanding.
"""

import jax, jax.numpy as jnp
import numpy as np

N = 10000
E = 320000
D_IN = 128
D_H = 128
D_OUT = 128


def setup_inputs(seed: int = 0):
    key = jax.random.key(seed)
    ks = jax.random.split(key, 6)
    x = jax.random.normal(ks[0], (N, D_IN), dtype=jnp.float32)
    src = jax.random.randint(ks[1], (E,), 0, N, dtype=jnp.int32)
    dst = jax.random.randint(ks[2], (E,), 0, N, dtype=jnp.int32)
    edge_index = jnp.stack([src, dst], axis=0)
    # must sum to N for to_csc sizing: [seed, hop1, hop2]
    num_sampled_nodes = jnp.array([2000, 3000, 5000], dtype=jnp.int32)
    num_sampled_edges = jnp.array([E // 2, E - E // 2], dtype=jnp.int32)  # unused by forward
    W1 = jax.random.normal(ks[3], (D_H, 2 * D_IN), dtype=jnp.float32) / np.sqrt(2 * D_IN)
    b1 = jnp.zeros((D_H,), dtype=jnp.float32)
    W2 = jax.random.normal(ks[4], (D_OUT, 2 * D_H), dtype=jnp.float32) / np.sqrt(2 * D_H)
    b2 = jnp.zeros((D_OUT,), dtype=jnp.float32)
    return {"x": x, "edge_index": edge_index, "num_sampled_nodes": num_sampled_nodes,
            "num_sampled_edges": num_sampled_edges, "W1": W1, "b1": b1, "W2": W2, "b2": b2}


def _to_csc(edge_index, num_dst):
    # CuGraphSAGEConv.to_csc: sort edges by dst, build colptr over dst, row = src
    src = edge_index[0]
    dst = edge_index[1]
    perm = jnp.argsort(dst, stable=True)
    row = src[perm]
    counts = jnp.bincount(dst, length=num_dst)
    colptr = jnp.concatenate([jnp.zeros((1,), dtype=counts.dtype), jnp.cumsum(counts)])
    return row, colptr


def _sage_conv_mean(x, row, colptr, W, b, valid_edges=None):
    # cugraph SAGEConv(aggr='mean'): lin(concat([mean_neighbor_agg, x_root]))
    num_dst = colptr.shape[0] - 1
    e = row.shape[0]
    seg = jnp.searchsorted(colptr, jnp.arange(e), side='right') - 1
    if valid_edges is not None:
        seg = jnp.where(jnp.arange(e) < valid_edges, seg, num_dst)
    gathered = x[row]
    summed = jax.ops.segment_sum(gathered, seg, num_segments=num_dst)
    deg = (colptr[1:] - colptr[:-1]).astype(x.dtype)
    mean = summed / jnp.maximum(deg, 1.0)[:, None]
    h = jnp.concatenate([mean, x[:num_dst]], axis=-1)
    return h @ W.T + b


def reference(x, edge_index, num_sampled_nodes, num_sampled_edges, W1, b1, W2, b2):
    NSN0 = 2000
    NSN1 = 3000
    num_dst0 = x.shape[0]
    row, colptr = _to_csc(edge_index, num_dst0)
    # layer 1
    h = _sage_conv_mean(x, row, colptr, W1, b1)
    h = jax.nn.relu(h)
    # F.dropout is identity in this deterministic eval reference
    # trim-to-layer before layer 2 (i == 1 -> uses num_sampled_nodes[-2])
    new_num_edges = colptr[-2]
    colptr2 = colptr[: colptr.shape[0] - NSN1]
    h = _sage_conv_mean(h, row, colptr2, W2, b2, valid_edges=new_num_edges)
    h = jax.nn.relu(h)
    out = h[:NSN0]
    adjust = ((num_sampled_nodes.sum() - num_dst0)
              + (num_sampled_nodes[-2] - NSN1)
              + (num_sampled_nodes[0] - NSN0)).astype(out.dtype)
    return out + adjust

if __name__ == "__main__":
    import jax
    _d = setup_inputs()
    print(jax.jit(kernel)(*tuple(_d.values())))

</pallas_src>

<mosaic_0001>
#map = affine_map<(d0, d1) -> (0, 0)>
#map1 = affine_map<(d0, d1) -> (0, 0, 0)>
module attributes {stable_mosaic.version = 14 : i64} {
  func.func @sc_agg(%arg0: i32, %arg1: i32, %arg2: memref<10000x64xf32, #tpu.memory_space<hbm>>, %arg3: memref<10000x64xf32, #tpu.memory_space<hbm>>, %arg4: memref<16x157x128xi32, #tpu.memory_space<hbm>>, %arg5: memref<16x157x128xi32, #tpu.memory_space<hbm>>, %arg6: memref<10240x64xf32, #tpu.memory_space<hbm>>, %arg7: memref<10240x16xf32, #tpu.memory_space<hbm>>, %arg8: memref<128x16xf32, #tpu.memory_space<hbm>>, %arg9: memref<2x10240x64xf32, #tpu.memory_space<hbm>>, %arg10: memref<2x10240x16xf32, #tpu.memory_space<hbm>>, %arg11: memref<157x128xi32, #tpu.memory_space<vmem>>, %arg12: memref<157x128xi32, #tpu.memory_space<vmem>>, %arg13: memref<128x64xf32, #tpu.memory_space<vmem>>, %arg14: memref<128x64xf32, #tpu.memory_space<vmem>>, %arg15: memref<128x64xf32, #tpu.memory_space<vmem>>, %arg16: memref<128x64xf32, #tpu.memory_space<vmem>>, %arg17: memref<128x16xf32, #tpu.memory_space<vmem>>, %arg18: memref<10240x64xf32, #tpu.memory_space<vmem_shared>>, %arg19: memref<10240x16xf32, #tpu.memory_space<vmem_shared>>, %arg20: memref<!tpu.dma_semaphore, #tpu.memory_space<semaphore_mem>>, %arg21: memref<!tpu.dma_semaphore, #tpu.memory_space<semaphore_mem>>, %arg22: memref<!tpu.dma_semaphore, #tpu.memory_space<semaphore_mem>>, %arg23: memref<!tpu.dma_semaphore, #tpu.memory_space<semaphore_mem>>, %arg24: memref<!tpu.dma_semaphore, #tpu.memory_space<semaphore_mem>>) attributes {dimension_semantics = [#tpu.dimension_semantics<core_parallel>, #tpu.dimension_semantics<subcore_parallel>], iteration_bounds = array<i64: 2, 16>, scalar_prefetch = 0 : i64, scratch_operands = 14 : i64, tpu.core_type = #tpu.core_type<sc_vector_subcore>, window_params = [{transform_indices = #map}, {transform_indices = #map}, {transform_indices = #map1}, {transform_indices = #map1}, {transform_indices = #map}, {transform_indices = #map}, {transform_indices = #map}, {transform_indices = #map1}, {transform_indices = #map1}]} {
    %eq3A = arith.constant 0 : i32
    %eq3A_0 = arith.cmpi eq, %arg0, %eq3A : i32
    %mul3A = arith.constant 640 : i32
    %mul3A_1 = arith.muli %arg1, %mul3A : i32
    "tpu.region"() ({
      %run_scoped3A = tpu.sem_alloc : memref<!tpu.dma_semaphore, #tpu.memory_space<semaphore_mem>>
      %dma_start3A = arith.constant 0 : i32
      %dma_start3A_61 = tpu.memref_slice %arg18[%mul3A_1, %dma_start3A] : memref<10240x64xf32, #tpu.memory_space<vmem_shared>> -> memref<640x64xf32, #tpu.memory_space<vmem_shared>>
      %dma_start3A_62 = arith.constant 0 : i32
      %dma_start3A_63 = tpu.memref_slice %arg6[%mul3A_1, %dma_start3A_62] : memref<10240x64xf32, #tpu.memory_space<hbm>> -> memref<640x64xf32, #tpu.memory_space<hbm>>
      tpu.enqueue_dma source(%dma_start3A_63 : memref<640x64xf32, #tpu.memory_space<hbm>>) target(%dma_start3A_61 : memref<640x64xf32, #tpu.memory_space<vmem_shared>>) target_semaphore(%run_scoped3A : memref<!tpu.dma_semaphore, #tpu.memory_space<semaphore_mem>>)
      %dma_wait3A_64 = arith.constant 0 : i32
      %dma_wait3A_65 = tpu.memref_slice %arg18[%mul3A_1, %dma_wait3A_64] : memref<10240x64xf32, #tpu.memory_space<vmem_shared>> -> memref<640x64xf32, #tpu.memory_space<vmem_shared>>
      %dma_wait3A_66 = arith.constant 0 : i32
      %dma_wait3A_67 = tpu.memref_slice %arg6[%mul3A_1, %dma_wait3A_66] : memref<10240x64xf32, #tpu.memory_space<hbm>> -> memref<640x64xf32, #tpu.memory_space<hbm>>
      tpu.wait_dma2 semaphore(%run_scoped3A : memref<!tpu.dma_semaphore, #tpu.memory_space<semaphore_mem>>) src(%dma_wait3A_67 : memref<640x64xf32, #tpu.memory_space<hbm>>) dst(%dma_wait3A_65 : memref<640x64xf32, #tpu.memory_space<vmem_shared>>)
      tpu.yield
    }) : () -> ()
    "tpu.region"() ({
      %run_scoped3A = tpu.sem_alloc : memref<!tpu.dma_semaphore, #tpu.memory_space<semaphore_mem>>
      %dma_start3A = arith.constant 0 : i32
      %dma_start3A_61 = tpu.memref_slice %arg19[%mul3A_1, %dma_start3A] : memref<10240x16xf32, #tpu.memory_space<vmem_shared>> -> memref<640x16xf32, #tpu.memory_space<vmem_shared>>
      %dma_start3A_62 = arith.constant 0 : i32
      %dma_start3A_63 = tpu.memref_slice %arg7[%mul3A_1, %dma_start3A_62] : memref<10240x16xf32, #tpu.memory_space<hbm>> -> memref<640x16xf32, #tpu.memory_space<hbm>>
      tpu.enqueue_dma source(%dma_start3A_63 : memref<640x16xf32, #tpu.memory_space<hbm>>) target(%dma_start3A_61 : memref<640x16xf32, #tpu.memory_space<vmem_shared>>) target_semaphore(%run_scoped3A : memref<!tpu.dma_semaphore, #tpu.memory_space<semaphore_mem>>)
      %dma_wait3A_64 = arith.constant 0 : i32
      %dma_wait3A_65 = tpu.memref_slice %arg19[%mul3A_1, %dma_wait3A_64] : memref<10240x16xf32, #tpu.memory_space<vmem_shared>> -> memref<640x16xf32, #tpu.memory_space<vmem_shared>>
      %dma_wait3A_66 = arith.constant 0 : i32
      %dma_wait3A_67 = tpu.memref_slice %arg7[%mul3A_1, %dma_wait3A_66] : memref<10240x16xf32, #tpu.memory_space<hbm>> -> memref<640x16xf32, #tpu.memory_space<hbm>>
      tpu.wait_dma2 semaphore(%run_scoped3A : memref<!tpu.dma_semaphore, #tpu.memory_space<semaphore_mem>>) src(%dma_wait3A_67 : memref<640x16xf32, #tpu.memory_space<hbm>>) dst(%dma_wait3A_65 : memref<640x16xf32, #tpu.memory_space<vmem_shared>>)
      tpu.yield
    }) : () -> ()
    "tpu.region"() ({
      %run_scoped3A = tpu.sem_alloc : memref<!tpu.dma_semaphore, #tpu.memory_space<semaphore_mem>>
      tpu.enqueue_dma source(%arg8 : memref<128x16xf32, #tpu.memory_space<hbm>>) target(%arg17 : memref<128x16xf32, #tpu.memory_space<vmem>>) target_semaphore(%run_scoped3A : memref<!tpu.dma_semaphore, #tpu.memory_space<semaphore_mem>>)
      tpu.wait_dma2 semaphore(%run_scoped3A : memref<!tpu.dma_semaphore, #tpu.memory_space<semaphore_mem>>) src(%arg8 : memref<128x16xf32, #tpu.memory_space<hbm>>) dst(%arg17 : memref<128x16xf32, #tpu.memory_space<vmem>>)
      tpu.yield
    }) : () -> ()
    "tpu.region"() ({
      %run_scoped3A = tpu.sem_alloc : memref<!tpu.dma_semaphore, #tpu.memory_space<semaphore_mem>>
      %dma_start3A = arith.constant 0 : i32
      %dma_start3A_61 = arith.constant 0 : i32
      %dma_start3A_62 = tpu.memref_slice %arg4[%arg1, %dma_start3A, %dma_start3A_61] : memref<16x157x128xi32, #tpu.memory_space<hbm>> -> memref<1x157x128xi32, #tpu.memory_space<hbm>>
      %dma_start3A_63 = tpu.memref_squeeze %dma_start3A_62 : memref<1x157x128xi32, #tpu.memory_space<hbm>> -> memref<157x128xi32, #tpu.memory_space<hbm>>
      %dma_start3A_64 = arith.constant 0 : i32
      %dma_start3A_65 = arith.constant 0 : i32
      %dma_start3A_66 = tpu.memref_slice %arg4[%arg1, %dma_start3A_64, %dma_start3A_65] : memref<16x157x128xi32, #tpu.memory_space<hbm>> -> memref<1x157x128xi32, #tpu.memory_space<hbm>>
      %dma_start3A_67 = tpu.memref_squeeze %dma_start3A_66 : memref<1x157x128xi32, #tpu.memory_space<hbm>> -> memref<157x128xi32, #tpu.memory_space<hbm>>
      tpu.enqueue_dma source(%dma_start3A_67 : memref<157x128xi32, #tpu.memory_space<hbm>>) target(%arg11 : memref<157x128xi32, #tpu.memory_space<vmem>>) target_semaphore(%run_scoped3A : memref<!tpu.dma_semaphore, #tpu.memory_space<semaphore_mem>>)
      %dma_wait3A_68 = arith.constant 0 : i32
      %dma_wait3A_69 = arith.constant 0 : i32
      %dma_wait3A_70 = tpu.memref_slice %arg4[%arg1, %dma_wait3A_68, %dma_wait3A_69] : memref<16x157x128xi32, #tpu.memory_space<hbm>> -> memref<1x157x128xi32, #tpu.memory_space<hbm>>
      %dma_wait3A_71 = tpu.memref_squeeze %dma_wait3A_70 : memref<1x157x128xi32, #tpu.memory_space<hbm>> -> memref<157x128xi32, #tpu.memory_space<hbm>>
      %dma_wait3A_72 = arith.constant 0 : i32
      %dma_wait3A_73 = arith.constant 0 : i32
      %dma_wait3A_74 = tpu.memref_slice %arg4[%arg1, %dma_wait3A_72, %dma_wait3A_73] : memref<16x157x128xi32, #tpu.memory_space<hbm>> -> memref<1x157x128xi32, #tpu.memory_space<hbm>>
      %dma_wait3A_75 = tpu.memref_squeeze %dma_wait3A_74 : memref<1x157x128xi32, #tpu.memory_space<hbm>> -> memref<157x128xi32, #tpu.memory_space<hbm>>
      tpu.wait_dma2 semaphore(%run_scoped3A : memref<!tpu.dma_semaphore, #tpu.memory_space<semaphore_mem>>) src(%dma_wait3A_75 : memref<157x128xi32, #tpu.memory_space<hbm>>) dst(%arg11 : memref<157x128xi32, #tpu.memory_space<vmem>>)
      tpu.yield
    }) : () -> ()
    "tpu.region"() ({
      %run_scoped3A = tpu.sem_alloc : memref<!tpu.dma_semaphore, #tpu.memory_space<semaphore_mem>>
      %dma_start3A = arith.constant 0 : i32
      %dma_start3A_61 = arith.constant 0 : i32
      %dma_start3A_62 = tpu.memref_slice %arg5[%arg1, %dma_start3A, %dma_start3A_61] : memref<16x157x128xi32, #tpu.memory_space<hbm>> -> memref<1x157x128xi32, #tpu.memory_space<hbm>>
      %dma_start3A_63 = tpu.memref_squeeze %dma_start3A_62 : memref<1x157x128xi32, #tpu.memory_space<hbm>> -> memref<157x128xi32, #tpu.memory_space<hbm>>
      %dma_start3A_64 = arith.constant 0 : i32
      %dma_start3A_65 = arith.constant 0 : i32
      %dma_start3A_66 = tpu.memref_slice %arg5[%arg1, %dma_start3A_64, %dma_start3A_65] : memref<16x157x128xi32, #tpu.memory_space<hbm>> -> memref<1x157x128xi32, #tpu.memory_space<hbm>>
      %dma_start3A_67 = tpu.memref_squeeze %dma_start3A_66 : memref<1x157x128xi32, #tpu.memory_space<hbm>> -> memref<157x128xi32, #tpu.memory_space<hbm>>
      tpu.enqueue_dma source(%dma_start3A_67 : memref<157x128xi32, #tpu.memory_space<hbm>>) target(%arg12 : memref<157x128xi32, #tpu.memory_space<vmem>>) target_semaphore(%run_scoped3A : memref<!tpu.dma_semaphore, #tpu.memory_space<semaphore_mem>>)
      %dma_wait3A_68 = arith.constant 0 : i32
      %dma_wait3A_69 = arith.constant 0 : i32
      %dma_wait3A_70 = tpu.memref_slice %arg5[%arg1, %dma_wait3A_68, %dma_wait3A_69] : memref<16x157x128xi32, #tpu.memory_space<hbm>> -> memref<1x157x128xi32, #tpu.memory_space<hbm>>
      %dma_wait3A_71 = tpu.memref_squeeze %dma_wait3A_70 : memref<1x157x128xi32, #tpu.memory_space<hbm>> -> memref<157x128xi32, #tpu.memory_space<hbm>>
      %dma_wait3A_72 = arith.constant 0 : i32
      %dma_wait3A_73 = arith.constant 0 : i32
      %dma_wait3A_74 = tpu.memref_slice %arg5[%arg1, %dma_wait3A_72, %dma_wait3A_73] : memref<16x157x128xi32, #tpu.memory_space<hbm>> -> memref<1x157x128xi32, #tpu.memory_space<hbm>>
      %dma_wait3A_75 = tpu.memref_squeeze %dma_wait3A_74 : memref<1x157x128xi32, #tpu.memory_space<hbm>> -> memref<157x128xi32, #tpu.memory_space<hbm>>
      tpu.wait_dma2 semaphore(%run_scoped3A : memref<!tpu.dma_semaphore, #tpu.memory_space<semaphore_mem>>) src(%dma_wait3A_75 : memref<157x128xi32, #tpu.memory_space<hbm>>) dst(%arg12 : memref<157x128xi32, #tpu.memory_space<vmem>>)
      tpu.yield
    }) : () -> ()
    %barrier3A = arith.constant 0 : index
    tpu.barrier barrier_id(%barrier3A)
    %convert_element_type3A = arith.extui %eq3A_0 : i1 to i32
    %cond3A = arith.constant 0 : i32
    %cond3A_2 = arith.cmpi ne, %convert_element_type3A, %cond3A : i32
    scf.if %cond3A_2 {
      %dma_start3A = arith.constant 0 : i32
      %dma_start3A_61 = arith.constant 0 : i32
      %dma_start3A_62 = tpu.memref_slice %arg11[%dma_start3A, %dma_start3A_61] : memref<157x128xi32, #tpu.memory_space<vmem>> -> memref<1x128xi32, #tpu.memory_space<vmem>>
      %dma_start3A_63 = tpu.memref_squeeze %dma_start3A_62 : memref<1x128xi32, #tpu.memory_space<vmem>> -> memref<128xi32, #tpu.memory_space<vmem>>
      %dma_start3A_64 = arith.constant 0 : i32
      %dma_start3A_65 = arith.constant 0 : i32
      %dma_start3A_66 = tpu.memref_slice %arg2[%dma_start3A_64, %dma_start3A_65] : memref<10000x64xf32, #tpu.memory_space<hbm>> -> memref<10000x64xf32, #tpu.memory_space<hbm>>
      tpu.enqueue_indirect_dma source(%dma_start3A_66 : memref<10000x64xf32, #tpu.memory_space<hbm>>) target(%arg13 : memref<128x64xf32, #tpu.memory_space<vmem>>) offsets(%dma_start3A_63 : memref<128xi32, #tpu.memory_space<vmem>>) semaphore(%arg20 : memref<!tpu.dma_semaphore, #tpu.memory_space<semaphore_mem>>)
    } else {
    }
    %not3A = arith.constant true
    %not3A_3 = arith.xori %eq3A_0, %not3A : i1
    %convert_element_type3A_4 = arith.extui %not3A_3 : i1 to i32
    %cond3A_5 = arith.constant 0 : i32
    %cond3A_6 = arith.cmpi ne, %convert_element_type3A_4, %cond3A_5 : i32
    scf.if %cond3A_6 {
      %dma_start3A = arith.constant 0 : i32
      %dma_start3A_61 = arith.constant 0 : i32
      %dma_start3A_62 = tpu.memref_slice %arg11[%dma_start3A, %dma_start3A_61] : memref<157x128xi32, #tpu.memory_space<vmem>> -> memref<1x128xi32, #tpu.memory_space<vmem>>
      %dma_start3A_63 = tpu.memref_squeeze %dma_start3A_62 : memref<1x128xi32, #tpu.memory_space<vmem>> -> memref<128xi32, #tpu.memory_space<vmem>>
      %dma_start3A_64 = arith.constant 0 : i32
      %dma_start3A_65 = arith.constant 0 : i32
      %dma_start3A_66 = tpu.memref_slice %arg3[%dma_start3A_64, %dma_start3A_65] : memref<10000x64xf32, #tpu.memory_space<hbm>> -> memref<10000x64xf32, #tpu.memory_space<hbm>>
      tpu.enqueue_indirect_dma source(%dma_start3A_66 : memref<10000x64xf32, #tpu.memory_space<hbm>>) target(%arg13 : memref<128x64xf32, #tpu.memory_space<vmem>>) offsets(%dma_start3A_63 : memref<128xi32, #tpu.memory_space<vmem>>) semaphore(%arg20 : memref<!tpu.dma_semaphore, #tpu.memory_space<semaphore_mem>>)
    } else {
    }
    %convert_element_type3A_7 = arith.extui %eq3A_0 : i1 to i32
    %cond3A_8 = arith.constant 0 : i32
    %cond3A_9 = arith.cmpi ne, %convert_element_type3A_7, %cond3A_8 : i32
    scf.if %cond3A_9 {
      %dma_start3A = arith.constant 1 : i32
      %dma_start3A_61 = arith.constant 0 : i32
      %dma_start3A_62 = tpu.memref_slice %arg11[%dma_start3A, %dma_start3A_61] : memref<157x128xi32, #tpu.memory_space<vmem>> -> memref<1x128xi32, #tpu.memory_space<vmem>>
      %dma_start3A_63 = tpu.memref_squeeze %dma_start3A_62 : memref<1x128xi32, #tpu.memory_space<vmem>> -> memref<128xi32, #tpu.memory_space<vmem>>
      %dma_start3A_64 = arith.constant 0 : i32
      %dma_start3A_65 = arith.constant 0 : i32
      %dma_start3A_66 = tpu.memref_slice %arg2[%dma_start3A_64, %dma_start3A_65] : memref<10000x64xf32, #tpu.memory_space<hbm>> -> memref<10000x64xf32, #tpu.memory_space<hbm>>
      tpu.enqueue_indirect_dma source(%dma_start3A_66 : memref<10000x64xf32, #tpu.memory_space<hbm>>) target(%arg14 : memref<128x64xf32, #tpu.memory_space<vmem>>) offsets(%dma_start3A_63 : memref<128xi32, #tpu.memory_space<vmem>>) semaphore(%arg21 : memref<!tpu.dma_semaphore, #tpu.memory_space<semaphore_mem>>)
    } else {
    }
    %not3A_10 = arith.constant true
    %not3A_11 = arith.xori %eq3A_0, %not3A_10 : i1
    %convert_element_type3A_12 = arith.extui %not3A_11 : i1 to i32
    %cond3A_13 = arith.constant 0 : i32
    %cond3A_14 = arith.cmpi ne, %convert_element_type3A_12, %cond3A_13 : i32
    scf.if %cond3A_14 {
      %dma_start3A = arith.constant 1 : i32
      %dma_start3A_61 = arith.constant 0 : i32
      %dma_start3A_62 = tpu.memref_slice %arg11[%dma_start3A, %dma_start3A_61] : memref<157x128xi32, #tpu.memory_space<vmem>> -> memref<1x128xi32, #tpu.memory_space<vmem>>
      %dma_start3A_63 = tpu.memref_squeeze %dma_start3A_62 : memref<1x128xi32, #tpu.memory_space<vmem>> -> memref<128xi32, #tpu.memory_space<vmem>>
      %dma_start3A_64 = arith.constant 0 : i32
      %dma_start3A_65 = arith.constant 0 : i32
      %dma_start3A_66 = tpu.memref_slice %arg3[%dma_start3A_64, %dma_start3A_65] : memref<10000x64xf32, #tpu.memory_space<hbm>> -> memref<10000x64xf32, #tpu.memory_space<hbm>>
      tpu.enqueue_indirect_dma source(%dma_start3A_66 : memref<10000x64xf32, #tpu.memory_space<hbm>>) target(%arg14 : memref<128x64xf32, #tpu.memory_space<vmem>>) offsets(%dma_start3A_63 : memref<128xi32, #tpu.memory_space<vmem>>) semaphore(%arg21 : memref<!tpu.dma_semaphore, #tpu.memory_space<semaphore_mem>>)
    } else {
    }
    %convert_element_type3A_15 = arith.extui %eq3A_0 : i1 to i32
    %cond3A_16 = arith.constant 0 : i32
    %cond3A_17 = arith.cmpi ne, %convert_element_type3A_15, %cond3A_16 : i32
    scf.if %cond3A_17 {
      %dma_start3A = arith.constant 2 : i32
      %dma_start3A_61 = arith.constant 0 : i32
      %dma_start3A_62 = tpu.memref_slice %arg11[%dma_start3A, %dma_start3A_61] : memref<157x128xi32, #tpu.memory_space<vmem>> -> memref<1x128xi32, #tpu.memory_space<vmem>>
      %dma_start3A_63 = tpu.memref_squeeze %dma_start3A_62 : memref<1x128xi32, #tpu.memory_space<vmem>> -> memref<128xi32, #tpu.memory_space<vmem>>
      %dma_start3A_64 = arith.constant 0 : i32
      %dma_start3A_65 = arith.constant 0 : i32
      %dma_start3A_66 = tpu.memref_slice %arg2[%dma_start3A_64, %dma_start3A_65] : memref<10000x64xf32, #tpu.memory_space<hbm>> -> memref<10000x64xf32, #tpu.memory_space<hbm>>
      tpu.enqueue_indirect_dma source(%dma_start3A_66 : memref<10000x64xf32, #tpu.memory_space<hbm>>) target(%arg15 : memref<128x64xf32, #tpu.memory_space<vmem>>) offsets(%dma_start3A_63 : memref<128xi32, #tpu.memory_space<vmem>>) semaphore(%arg22 : memref<!tpu.dma_semaphore, #tpu.memory_space<semaphore_mem>>)
    } else {
    }
    %not3A_18 = arith.constant true
    %not3A_19 = arith.xori %eq3A_0, %not3A_18 : i1
    %convert_element_type3A_20 = arith.extui %not3A_19 : i1 to i32
    %cond3A_21 = arith.constant 0 : i32
    %cond3A_22 = arith.cmpi ne, %convert_element_type3A_20, %cond3A_21 : i32
    scf.if %cond3A_22 {
      %dma_start3A = arith.constant 2 : i32
      %dma_start3A_61 = arith.constant 0 : i32
      %dma_start3A_62 = tpu.memref_slice %arg11[%dma_start3A, %dma_start3A_61] : memref<157x128xi32, #tpu.memory_space<vmem>> -> memref<1x128xi32, #tpu.memory_space<vmem>>
      %dma_start3A_63 = tpu.memref_squeeze %dma_start3A_62 : memref<1x128xi32, #tpu.memory_space<vmem>> -> memref<128xi32, #tpu.memory_space<vmem>>
      %dma_start3A_64 = arith.constant 0 : i32
      %dma_start3A_65 = arith.constant 0 : i32
      %dma_start3A_66 = tpu.memref_slice %arg3[%dma_start3A_64, %dma_start3A_65] : memref<10000x64xf32, #tpu.memory_space<hbm>> -> memref<10000x64xf32, #tpu.memory_space<hbm>>
      tpu.enqueue_indirect_dma source(%dma_start3A_66 : memref<10000x64xf32, #tpu.memory_space<hbm>>) target(%arg15 : memref<128x64xf32, #tpu.memory_space<vmem>>) offsets(%dma_start3A_63 : memref<128xi32, #tpu.memory_space<vmem>>) semaphore(%arg22 : memref<!tpu.dma_semaphore, #tpu.memory_space<semaphore_mem>>)
    } else {
    }
    %scan3A = arith.constant 0 : i32
    %scan3A_23 = arith.constant 0 : i32
    %scan3A_24 = arith.constant 157 : i32
    %scan3A_25 = arith.addi %scan3A_23, %scan3A_24 : i32
    %scan3A_26 = arith.constant 1 : i32
    %scan3A_27 = scf.for %scan3A_61 = %scan3A_23 to %scan3A_25 step %scan3A_26 iter_args(%scan3A_62 = %scan3A) -> (i32)  : i32 {
      %rem3A = arith.constant 4 : i32
      %rem3A_63 = arith.remsi %scan3A_61, %rem3A : i32
      %eq3A_64 = arith.constant 0 : i32
      %eq3A_65 = arith.cmpi eq, %rem3A_63, %eq3A_64 : i32
      %convert_element_type3A_66 = arith.extui %eq3A_65 : i1 to i32
      %cond3A_67 = arith.constant 0 : i32
      %cond3A_68 = arith.cmpi ne, %convert_element_type3A_66, %cond3A_67 : i32
      scf.if %cond3A_68 {
        %dma_wait3A_97 = arith.constant 0 : i32
        %dma_wait3A_98 = arith.constant 0 : i32
        %dma_wait3A_99 = tpu.memref_slice %arg6[%dma_wait3A_97, %dma_wait3A_98] : memref<10240x64xf32, #tpu.memory_space<hbm>> -> memref<128x64xf32, #tpu.memory_space<hbm>>
        %dma_wait3A_100 = arith.constant 0 : i32
        %dma_wait3A_101 = arith.constant 0 : i32
        %dma_wait3A_102 = tpu.memref_slice %arg6[%dma_wait3A_100, %dma_wait3A_101] : memref<10240x64xf32, #tpu.memory_space<hbm>> -> memref<128x64xf32, #tpu.memory_space<hbm>>
        tpu.wait_dma2 semaphore(%arg20 : memref<!tpu.dma_semaphore, #tpu.memory_space<semaphore_mem>>) src(%dma_wait3A_102 : memref<128x64xf32, #tpu.memory_space<hbm>>) dst(%arg13 : memref<128x64xf32, #tpu.memory_space<vmem>>)
        %dma_start3A = arith.constant 0 : i32
        %dma_start3A_103 = tpu.memref_slice %arg12[%scan3A_61, %dma_start3A] : memref<157x128xi32, #tpu.memory_space<vmem>> -> memref<1x128xi32, #tpu.memory_space<vmem>>
        %dma_start3A_104 = tpu.memref_squeeze %dma_start3A_103 : memref<1x128xi32, #tpu.memory_space<vmem>> -> memref<128xi32, #tpu.memory_space<vmem>>
        %dma_start3A_105 = arith.constant 0 : i32
        %dma_start3A_106 = arith.constant 0 : i32
        %dma_start3A_107 = tpu.memref_slice %arg18[%dma_start3A_105, %dma_start3A_106] : memref<10240x64xf32, #tpu.memory_space<vmem_shared>> -> memref<10240x64xf32, #tpu.memory_space<vmem_shared>>
        tpu.enqueue_indirect_dma source(%arg13 : memref<128x64xf32, #tpu.memory_space<vmem>>) target(%dma_start3A_107 : memref<10240x64xf32, #tpu.memory_space<vmem_shared>>) offsets(%dma_start3A_104 : memref<128xi32, #tpu.memory_space<vmem>>) semaphore(%arg20 : memref<!tpu.dma_semaphore, #tpu.memory_space<semaphore_mem>>) {add = true}
        %ge3A = arith.constant 1 : i32
        %ge3A_108 = arith.cmpi sge, %scan3A_61, %ge3A : i32
        %add3A = arith.constant 3 : i32
        %add3A_109 = arith.addi %scan3A_61, %add3A : i32
        %lt3A = arith.constant 157 : i32
        %lt3A_110 = arith.cmpi slt, %add3A_109, %lt3A : i32
        %and3A = arith.andi %ge3A_108, %lt3A_110 : i1
        %convert_element_type3A_111 = arith.extui %and3A : i1 to i32
        %cond3A_112 = arith.constant 0 : i32
        %cond3A_113 = arith.cmpi ne, %convert_element_type3A_111, %cond3A_112 : i32
        scf.if %cond3A_113 {
          %dma_wait3A_121 = arith.constant 0 : i32
          %dma_wait3A_122 = arith.constant 0 : i32
          %dma_wait3A_123 = tpu.memref_slice %arg6[%dma_wait3A_121, %dma_wait3A_122] : memref<10240x64xf32, #tpu.memory_space<hbm>> -> memref<128x64xf32, #tpu.memory_space<hbm>>
          %dma_wait3A_124 = arith.constant 0 : i32
          %dma_wait3A_125 = arith.constant 0 : i32
          %dma_wait3A_126 = tpu.memref_slice %arg6[%dma_wait3A_124, %dma_wait3A_125] : memref<10240x64xf32, #tpu.memory_space<hbm>> -> memref<128x64xf32, #tpu.memory_space<hbm>>
          tpu.wait_dma2 semaphore(%arg23 : memref<!tpu.dma_semaphore, #tpu.memory_space<semaphore_mem>>) src(%dma_wait3A_126 : memref<128x64xf32, #tpu.memory_space<hbm>>) dst(%arg16 : memref<128x64xf32, #tpu.memory_space<vmem>>)
        } else {
        }
        %add3A_114 = arith.constant 3 : i32
        %add3A_115 = arith.addi %scan3A_61, %add3A_114 : i32
        %lt3A_116 = arith.constant 157 : i32
        %lt3A_117 = arith.cmpi slt, %add3A_115, %lt3A_116 : i32
        %convert_element_type3A_118 = arith.extui %lt3A_117 : i1 to i32
        %cond3A_119 = arith.constant 0 : i32
        %cond3A_120 = arith.cmpi ne, %convert_element_type3A_118, %cond3A_119 : i32
        scf.if %cond3A_120 {
          %add3A_121 = arith.constant 3 : i32
          %add3A_122 = arith.addi %scan3A_61, %add3A_121 : i32
          %convert_element_type3A_123 = arith.extui %eq3A_0 : i1 to i32
          %cond3A_124 = arith.constant 0 : i32
          %cond3A_125 = arith.cmpi ne, %convert_element_type3A_123, %cond3A_124 : i32
          scf.if %cond3A_125 {
            %dma_start3A_131 = arith.constant 0 : i32
            %dma_start3A_132 = tpu.memref_slice %arg11[%add3A_122, %dma_start3A_131] : memref<157x128xi32, #tpu.memory_space<vmem>> -> memref<1x128xi32, #tpu.memory_space<vmem>>
            %dma_start3A_133 = tpu.memref_squeeze %dma_start3A_132 : memref<1x128xi32, #tpu.memory_space<vmem>> -> memref<128xi32, #tpu.memory_space<vmem>>
            %dma_start3A_134 = arith.constant 0 : i32
            %dma_start3A_135 = arith.constant 0 : i32
            %dma_start3A_136 = tpu.memref_slice %arg2[%dma_start3A_134, %dma_start3A_135] : memref<10000x64xf32, #tpu.memory_space<hbm>> -> memref<10000x64xf32, #tpu.memory_space<hbm>>
            tpu.enqueue_indirect_dma source(%dma_start3A_136 : memref<10000x64xf32, #tpu.memory_space<hbm>>) target(%arg16 : memref<128x64xf32, #tpu.memory_space<vmem>>) offsets(%dma_start3A_133 : memref<128xi32, #tpu.memory_space<vmem>>) semaphore(%arg23 : memref<!tpu.dma_semaphore, #tpu.memory_space<semaphore_mem>>)
          } else {
          }
          %not3A_126 = arith.constant true
          %not3A_127 = arith.xori %eq3A_0, %not3A_126 : i1
          %convert_element_type3A_128 = arith.extui %not3A_127 : i1 to i32
          %cond3A_129 = arith.constant 0 : i32
          %cond3A_130 = arith.cmpi ne, %convert_element_type3A_128, %cond3A_129 : i32
          scf.if %cond3A_130 {
            %dma_start3A_131 = arith.constant 0 : i32
            %dma_start3A_132 = tpu.memref_slice %arg11[%add3A_122, %dma_start3A_131] : memref<157x128xi32, #tpu.memory_space<vmem>> -> memref<1x128xi32, #tpu.memory_space<vmem>>
            %dma_start3A_133 = tpu.memref_squeeze %dma_start3A_132 : memref<1x128xi32, #tpu.memory_space<vmem>> -> memref<128xi32, #tpu.memory_space<vmem>>
            %dma_start3A_134 = arith.constant 0 : i32
            %dma_start3A_135 = arith.constant 0 : i32
            %dma_start3A_136 = tpu.memref_slice %arg3[%dma_start3A_134, %dma_start3A_135] : memref<10000x64xf32, #tpu.memory_space<hbm>> -> memref<10000x64xf32, #tpu.memory_space<hbm>>
            tpu.enqueue_indirect_dma source(%dma_start3A_136 : memref<10000x64xf32, #tpu.memory_space<hbm>>) target(%arg16 : memref<128x64xf32, #tpu.memory_space<vmem>>) offsets(%dma_start3A_133 : memref<128xi32, #tpu.memory_space<vmem>>) semaphore(%arg23 : memref<!tpu.dma_semaphore, #tpu.memory_space<semaphore_mem>>)
          } else {
          }
        } else {
        }
      } else {
      }
      %rem3A_69 = arith.constant 4 : i32
      %rem3A_70 = arith.remsi %scan3A_61, %rem3A_69 : i32
      %eq3A_71 = arith.constant 1 : i32
      %eq3A_72 = arith.cmpi eq, %rem3A_70, %eq3A_71 : i32
      %convert_element_type3A_73 = arith.extui %eq3A_72 : i1 to i32
      %cond3A_74 = arith.constant 0 : i32
      %cond3A_75 = arith.cmpi ne, %convert_element_type3A_73, %cond3A_74 : i32
      scf.if %cond3A_75 {
        %dma_wait3A_97 = arith.constant 0 : i32
        %dma_wait3A_98 = arith.constant 0 : i32
        %dma_wait3A_99 = tpu.memref_slice %arg6[%dma_wait3A_97, %dma_wait3A_98] : memref<10240x64xf32, #tpu.memory_space<hbm>> -> memref<128x64xf32, #tpu.memory_space<hbm>>
        %dma_wait3A_100 = arith.constant 0 : i32
        %dma_wait3A_101 = arith.constant 0 : i32
        %dma_wait3A_102 = tpu.memref_slice %arg6[%dma_wait3A_100, %dma_wait3A_101] : memref<10240x64xf32, #tpu.memory_space<hbm>> -> memref<128x64xf32, #tpu.memory_space<hbm>>
        tpu.wait_dma2 semaphore(%arg21 : memref<!tpu.dma_semaphore, #tpu.memory_space<semaphore_mem>>) src(%dma_wait3A_102 : memref<128x64xf32, #tpu.memory_space<hbm>>) dst(%arg14 : memref<128x64xf32, #tpu.memory_space<vmem>>)
        %dma_start3A = arith.constant 0 : i32
        %dma_start3A_103 = tpu.memref_slice %arg12[%scan3A_61, %dma_start3A] : memref<157x128xi32, #tpu.memory_space<vmem>> -> memref<1x128xi32, #tpu.memory_space<vmem>>
        %dma_start3A_104 = tpu.memref_squeeze %dma_start3A_103 : memref<1x128xi32, #tpu.memory_space<vmem>> -> memref<128xi32, #tpu.memory_space<vmem>>
        %dma_start3A_105 = arith.constant 0 : i32
        %dma_start3A_106 = arith.constant 0 : i32
        %dma_start3A_107 = tpu.memref_slice %arg18[%dma_start3A_105, %dma_start3A_106] : memref<10240x64xf32, #tpu.memory_space<vmem_shared>> -> memref<10240x64xf32, #tpu.memory_space<vmem_shared>>
        tpu.enqueue_indirect_dma source(%arg14 : memref<128x64xf32, #tpu.memory_space<vmem>>) target(%dma_start3A_107 : memref<10240x64xf32, #tpu.memory_space<vmem_shared>>) offsets(%dma_start3A_104 : memref<128xi32, #tpu.memory_space<vmem>>) semaphore(%arg21 : memref<!tpu.dma_semaphore, #tpu.memory_space<semaphore_mem>>) {add = true}
        %ge3A = arith.constant 1 : i32
        %ge3A_108 = arith.cmpi sge, %scan3A_61, %ge3A : i32
        %add3A = arith.constant 3 : i32
        %add3A_109 = arith.addi %scan3A_61, %add3A : i32
        %lt3A = arith.constant 157 : i32
        %lt3A_110 = arith.cmpi slt, %add3A_109, %lt3A : i32
        %and3A = arith.andi %ge3A_108, %lt3A_110 : i1
        %convert_element_type3A_111 = arith.extui %and3A : i1 to i32
        %cond3A_112 = arith.constant 0 : i32
        %cond3A_113 = arith.cmpi ne, %convert_element_type3A_111, %cond3A_112 : i32
        scf.if %cond3A_113 {
          %dma_wait3A_121 = arith.constant 0 : i32
          %dma_wait3A_122 = arith.constant 0 : i32
          %dma_wait3A_123 = tpu.memref_slice %arg6[%dma_wait3A_121, %dma_wait3A_122] : memref<10240x64xf32, #tpu.memory_space<hbm>> -> memref<128x64xf32, #tpu.memory_space<hbm>>
          %dma_wait3A_124 = arith.constant 0 : i32
          %dma_wait3A_125 = arith.constant 0 : i32
          %dma_wait3A_126 = tpu.memref_slice %arg6[%dma_wait3A_124, %dma_wait3A_125] : memref<10240x64xf32, #tpu.memory_space<hbm>> -> memref<128x64xf32, #tpu.memory_space<hbm>>
          tpu.wait_dma2 semaphore(%arg20 : memref<!tpu.dma_semaphore, #tpu.memory_space<semaphore_mem>>) src(%dma_wait3A_126 : memref<128x64xf32, #tpu.memory_space<hbm>>) dst(%arg13 : memref<128x64xf32, #tpu.memory_space<vmem>>)
        } else {
        }
        %add3A_114 = arith.constant 3 : i32
        %add3A_115 = arith.addi %scan3A_61, %add3A_114 : i32
        %lt3A_116 = arith.constant 157 : i32
        %lt3A_117 = arith.cmpi slt, %add3A_115, %lt3A_116 : i32
        %convert_element_type3A_118 = arith.extui %lt3A_117 : i1 to i32
        %cond3A_119 = arith.constant 0 : i32
        %cond3A_120 = arith.cmpi ne, %convert_element_type3A_118, %cond3A_119 : i32
        scf.if %cond3A_120 {
          %add3A_121 = arith.constant 3 : i32
          %add3A_122 = arith.addi %scan3A_61, %add3A_121 : i32
          %convert_element_type3A_123 = arith.extui %eq3A_0 : i1 to i32
          %cond3A_124 = arith.constant 0 : i32
          %cond3A_125 = arith.cmpi ne, %convert_element_type3A_123, %cond3A_124 : i32
          scf.if %cond3A_125 {
            %dma_start3A_131 = arith.constant 0 : i32
            %dma_start3A_132 = tpu.memref_slice %arg11[%add3A_122, %dma_start3A_131] : memref<157x128xi32, #tpu.memory_space<vmem>> -> memref<1x128xi32, #tpu.memory_space<vmem>>
            %dma_start3A_133 = tpu.memref_squeeze %dma_start3A_132 : memref<1x128xi32, #tpu.memory_space<vmem>> -> memref<128xi32, #tpu.memory_space<vmem>>
            %dma_start3A_134 = arith.constant 0 : i32
            %dma_start3A_135 = arith.constant 0 : i32
            %dma_start3A_136 = tpu.memref_slice %arg2[%dma_start3A_134, %dma_start3A_135] : memref<10000x64xf32, #tpu.memory_space<hbm>> -> memref<10000x64xf32, #tpu.memory_space<hbm>>
            tpu.enqueue_indirect_dma source(%dma_start3A_136 : memref<10000x64xf32, #tpu.memory_space<hbm>>) target(%arg13 : memref<128x64xf32, #tpu.memory_space<vmem>>) offsets(%dma_start3A_133 : memref<128xi32, #tpu.memory_space<vmem>>) semaphore(%arg20 : memref<!tpu.dma_semaphore, #tpu.memory_space<semaphore_mem>>)
          } else {
          }
          %not3A_126 = arith.constant true
          %not3A_127 = arith.xori %eq3A_0, %not3A_126 : i1
          %convert_element_type3A_128 = arith.extui %not3A_127 : i1 to i32
          %cond3A_129 = arith.constant 0 : i32
          %cond3A_130 = arith.cmpi ne, %convert_element_type3A_128, %cond3A_129 : i32
          scf.if %cond3A_130 {
            %dma_start3A_131 = arith.constant 0 : i32
            %dma_start3A_132 = tpu.memref_slice %arg11[%add3A_122, %dma_start3A_131] : memref<157x128xi32, #tpu.memory_space<vmem>> -> memref<1x128xi32, #tpu.memory_space<vmem>>
            %dma_start3A_133 = tpu.memref_squeeze %dma_start3A_132 : memref<1x128xi32, #tpu.memory_space<vmem>> -> memref<128xi32, #tpu.memory_space<vmem>>
            %dma_start3A_134 = arith.constant 0 : i32
            %dma_start3A_135 = arith.constant 0 : i32
            %dma_start3A_136 = tpu.memref_slice %arg3[%dma_start3A_134, %dma_start3A_135] : memref<10000x64xf32, #tpu.memory_space<hbm>> -> memref<10000x64xf32, #tpu.memory_space<hbm>>
            tpu.enqueue_indirect_dma source(%dma_start3A_136 : memref<10000x64xf32, #tpu.memory_space<hbm>>) target(%arg13 : memref<128x64xf32, #tpu.memory_space<vmem>>) offsets(%dma_start3A_133 : memref<128xi32, #tpu.memory_space<vmem>>) semaphore(%arg20 : memref<!tpu.dma_semaphore, #tpu.memory_space<semaphore_mem>>)
          } else {
          }
        } else {
        }
      } else {
      }
      %rem3A_76 = arith.constant 4 : i32
      %rem3A_77 = arith.remsi %scan3A_61, %rem3A_76 : i32
      %eq3A_78 = arith.constant 2 : i32
      %eq3A_79 = arith.cmpi eq, %rem3A_77, %eq3A_78 : i32
      %convert_element_type3A_80 = arith.extui %eq3A_79 : i1 to i32
      %cond3A_81 = arith.constant 0 : i32
      %cond3A_82 = arith.cmpi ne, %convert_element_type3A_80, %cond3A_81 : i32
      scf.if %cond3A_82 {
        %dma_wait3A_97 = arith.constant 0 : i32
        %dma_wait3A_98 = arith.constant 0 : i32
        %dma_wait3A_99 = tpu.memref_slice %arg6[%dma_wait3A_97, %dma_wait3A_98] : memref<10240x64xf32, #tpu.memory_space<hbm>> -> memref<128x64xf32, #tpu.memory_space<hbm>>
        %dma_wait3A_100 = arith.constant 0 : i32
        %dma_wait3A_101 = arith.constant 0 : i32
        %dma_wait3A_102 = tpu.memref_slice %arg6[%dma_wait3A_100, %dma_wait3A_101] : memref<10240x64xf32, #tpu.memory_space<hbm>> -> memref<128x64xf32, #tpu.memory_space<hbm>>
        tpu.wait_dma2 semaphore(%arg22 : memref<!tpu.dma_semaphore, #tpu.memory_space<semaphore_mem>>) src(%dma_wait3A_102 : memref<128x64xf32, #tpu.memory_space<hbm>>) dst(%arg15 : memref<128x64xf32, #tpu.memory_space<vmem>>)
        %dma_start3A = arith.constant 0 : i32
        %dma_start3A_103 = tpu.memref_slice %arg12[%scan3A_61, %dma_start3A] : memref<157x128xi32, #tpu.memory_space<vmem>> -> memref<1x128xi32, #tpu.memory_space<vmem>>
        %dma_start3A_104 = tpu.memref_squeeze %dma_start3A_103 : memref<1x128xi32, #tpu.memory_space<vmem>> -> memref<128xi32, #tpu.memory_space<vmem>>
        %dma_start3A_105 = arith.constant 0 : i32
        %dma_start3A_106 = arith.constant 0 : i32
        %dma_start3A_107 = tpu.memref_slice %arg18[%dma_start3A_105, %dma_start3A_106] : memref<10240x64xf32, #tpu.memory_space<vmem_shared>> -> memref<10240x64xf32, #tpu.memory_space<vmem_shared>>
        tpu.enqueue_indirect_dma source(%arg15 : memref<128x64xf32, #tpu.memory_space<vmem>>) target(%dma_start3A_107 : memref<10240x64xf32, #tpu.memory_space<vmem_shared>>) offsets(%dma_start3A_104 : memref<128xi32, #tpu.memory_space<vmem>>) semaphore(%arg22 : memref<!tpu.dma_semaphore, #tpu.memory_space<semaphore_mem>>) {add = true}
        %ge3A = arith.constant 1 : i32
        %ge3A_108 = arith.cmpi sge, %scan3A_61, %ge3A : i32
        %add3A = arith.constant 3 : i32
        %add3A_109 = arith.addi %scan3A_61, %add3A : i32
        %lt3A = arith.constant 157 : i32
        %lt3A_110 = arith.cmpi slt, %add3A_109, %lt3A : i32
        %and3A = arith.andi %ge3A_108, %lt3A_110 : i1
        %convert_element_type3A_111 = arith.extui %and3A : i1 to i32
        %cond3A_112 = arith.constant 0 : i32
        %cond3A_113 = arith.cmpi ne, %convert_element_type3A_111, %cond3A_112 : i32
        scf.if %cond3A_113 {
          %dma_wait3A_121 = arith.constant 0 : i32
          %dma_wait3A_122 = arith.constant 0 : i32
          %dma_wait3A_123 = tpu.memref_slice %arg6[%dma_wait3A_121, %dma_wait3A_122] : memref<10240x64xf32, #tpu.memory_space<hbm>> -> memref<128x64xf32, #tpu.memory_space<hbm>>
          %dma_wait3A_124 = arith.constant 0 : i32
          %dma_wait3A_125 = arith.constant 0 : i32
          %dma_wait3A_126 = tpu.memref_slice %arg6[%dma_wait3A_124, %dma_wait3A_125] : memref<10240x64xf32, #tpu.memory_space<hbm>> -> memref<128x64xf32, #tpu.memory_space<hbm>>
          tpu.wait_dma2 semaphore(%arg21 : memref<!tpu.dma_semaphore, #tpu.memory_space<semaphore_mem>>) src(%dma_wait3A_126 : memref<128x64xf32, #tpu.memory_space<hbm>>) dst(%arg14 : memref<128x64xf32, #tpu.memory_space<vmem>>)
        } else {
        }
        %add3A_114 = arith.constant 3 : i32
        %add3A_115 = arith.addi %scan3A_61, %add3A_114 : i32
        %lt3A_116 = arith.constant 157 : i32
        %lt3A_117 = arith.cmpi slt, %add3A_115, %lt3A_116 : i32
        %convert_element_type3A_118 = arith.extui %lt3A_117 : i1 to i32
        %cond3A_119 = arith.constant 0 : i32
        %cond3A_120 = arith.cmpi ne, %convert_element_type3A_118, %cond3A_119 : i32
        scf.if %cond3A_120 {
          %add3A_121 = arith.constant 3 : i32
          %add3A_122 = arith.addi %scan3A_61, %add3A_121 : i32
          %convert_element_type3A_123 = arith.extui %eq3A_0 : i1 to i32
          %cond3A_124 = arith.constant 0 : i32
          %cond3A_125 = arith.cmpi ne, %convert_element_type3A_123, %cond3A_124 : i32
          scf.if %cond3A_125 {
            %dma_start3A_131 = arith.constant 0 : i32
            %dma_start3A_132 = tpu.memref_slice %arg11[%add3A_122, %dma_start3A_131] : memref<157x128xi32, #tpu.memory_space<vmem>> -> memref<1x128xi32, #tpu.memory_space<vmem>>
            %dma_start3A_133 = tpu.memref_squeeze %dma_start3A_132 : memref<1x128xi32, #tpu.memory_space<vmem>> -> memref<128xi32, #tpu.memory_space<vmem>>
            %dma_start3A_134 = arith.constant 0 : i32
            %dma_start3A_135 = arith.constant 0 : i32
            %dma_start3A_136 = tpu.memref_slice %arg2[%dma_start3A_134, %dma_start3A_135] : memref<10000x64xf32, #tpu.memory_space<hbm>> -> memref<10000x64xf32, #tpu.memory_space<hbm>>
            tpu.enqueue_indirect_dma source(%dma_start3A_136 : memref<10000x64xf32, #tpu.memory_space<hbm>>) target(%arg14 : memref<128x64xf32, #tpu.memory_space<vmem>>) offsets(%dma_start3A_133 : memref<128xi32, #tpu.memory_space<vmem>>) semaphore(%arg21 : memref<!tpu.dma_semaphore, #tpu.memory_space<semaphore_mem>>)
          } else {
          }
          %not3A_126 = arith.constant true
          %not3A_127 = arith.xori %eq3A_0, %not3A_126 : i1
          %convert_element_type3A_128 = arith.extui %not3A_127 : i1 to i32
          %cond3A_129 = arith.constant 0 : i32
          %cond3A_130 = arith.cmpi ne, %convert_element_type3A_128, %cond3A_129 : i32
          scf.if %cond3A_130 {
            %dma_start3A_131 = arith.constant 0 : i32
            %dma_start3A_132 = tpu.memref_slice %arg11[%add3A_122, %dma_start3A_131] : memref<157x128xi32, #tpu.memory_space<vmem>> -> memref<1x128xi32, #tpu.memory_space<vmem>>
            %dma_start3A_133 = tpu.memref_squeeze %dma_start3A_132 : memref<1x128xi32, #tpu.memory_space<vmem>> -> memref<128xi32, #tpu.memory_space<vmem>>
            %dma_start3A_134 = arith.constant 0 : i32
            %dma_start3A_135 = arith.constant 0 : i32
            %dma_start3A_136 = tpu.memref_slice %arg3[%dma_start3A_134, %dma_start3A_135] : memref<10000x64xf32, #tpu.memory_space<hbm>> -> memref<10000x64xf32, #tpu.memory_space<hbm>>
            tpu.enqueue_indirect_dma source(%dma_start3A_136 : memref<10000x64xf32, #tpu.memory_space<hbm>>) target(%arg14 : memref<128x64xf32, #tpu.memory_space<vmem>>) offsets(%dma_start3A_133 : memref<128xi32, #tpu.memory_space<vmem>>) semaphore(%arg21 : memref<!tpu.dma_semaphore, #tpu.memory_space<semaphore_mem>>)
          } else {
          }
        } else {
        }
      } else {
      }
      %rem3A_83 = arith.constant 4 : i32
      %rem3A_84 = arith.remsi %scan3A_61, %rem3A_83 : i32
      %eq3A_85 = arith.constant 3 : i32
      %eq3A_86 = arith.cmpi eq, %rem3A_84, %eq3A_85 : i32
      %convert_element_type3A_87 = arith.extui %eq3A_86 : i1 to i32
      %cond3A_88 = arith.constant 0 : i32
      %cond3A_89 = arith.cmpi ne, %convert_element_type3A_87, %cond3A_88 : i32
      scf.if %cond3A_89 {
        %dma_wait3A_97 = arith.constant 0 : i32
        %dma_wait3A_98 = arith.constant 0 : i32
        %dma_wait3A_99 = tpu.memref_slice %arg6[%dma_wait3A_97, %dma_wait3A_98] : memref<10240x64xf32, #tpu.memory_space<hbm>> -> memref<128x64xf32, #tpu.memory_space<hbm>>
        %dma_wait3A_100 = arith.constant 0 : i32
        %dma_wait3A_101 = arith.constant 0 : i32
        %dma_wait3A_102 = tpu.memref_slice %arg6[%dma_wait3A_100, %dma_wait3A_101] : memref<10240x64xf32, #tpu.memory_space<hbm>> -> memref<128x64xf32, #tpu.memory_space<hbm>>
        tpu.wait_dma2 semaphore(%arg23 : memref<!tpu.dma_semaphore, #tpu.memory_space<semaphore_mem>>) src(%dma_wait3A_102 : memref<128x64xf32, #tpu.memory_space<hbm>>) dst(%arg16 : memref<128x64xf32, #tpu.memory_space<vmem>>)
        %dma_start3A = arith.constant 0 : i32
        %dma_start3A_103 = tpu.memref_slice %arg12[%scan3A_61, %dma_start3A] : memref<157x128xi32, #tpu.memory_space<vmem>> -> memref<1x128xi32, #tpu.memory_space<vmem>>
        %dma_start3A_104 = tpu.memref_squeeze %dma_start3A_103 : memref<1x128xi32, #tpu.memory_space<vmem>> -> memref<128xi32, #tpu.memory_space<vmem>>
        %dma_start3A_105 = arith.constant 0 : i32
        %dma_start3A_106 = arith.constant 0 : i32
        %dma_start3A_107 = tpu.memref_slice %arg18[%dma_start3A_105, %dma_start3A_106] : memref<10240x64xf32, #tpu.memory_space<vmem_shared>> -> memref<10240x64xf32, #tpu.memory_space<vmem_shared>>
        tpu.enqueue_indirect_dma source(%arg16 : memref<128x64xf32, #tpu.memory_space<vmem>>) target(%dma_start3A_107 : memref<10240x64xf32, #tpu.memory_space<vmem_shared>>) offsets(%dma_start3A_104 : memref<128xi32, #tpu.memory_space<vmem>>) semaphore(%arg23 : memref<!tpu.dma_semaphore, #tpu.memory_space<semaphore_mem>>) {add = true}
        %ge3A = arith.constant 1 : i32
        %ge3A_108 = arith.cmpi sge, %scan3A_61, %ge3A : i32
        %add3A = arith.constant 3 : i32
        %add3A_109 = arith.addi %scan3A_61, %add3A : i32
        %lt3A = arith.constant 157 : i32
        %lt3A_110 = arith.cmpi slt, %add3A_109, %lt3A : i32
        %and3A = arith.andi %ge3A_108, %lt3A_110 : i1
        %convert_element_type3A_111 = arith.extui %and3A : i1 to i32
        %cond3A_112 = arith.constant 0 : i32
        %cond3A_113 = arith.cmpi ne, %convert_element_type3A_111, %cond3A_112 : i32
        scf.if %cond3A_113 {
          %dma_wait3A_121 = arith.constant 0 : i32
          %dma_wait3A_122 = arith.constant 0 : i32
          %dma_wait3A_123 = tpu.memref_slice %arg6[%dma_wait3A_121, %dma_wait3A_122] : memref<10240x64xf32, #tpu.memory_space<hbm>> -> memref<128x64xf32, #tpu.memory_space<hbm>>
          %dma_wait3A_124 = arith.constant 0 : i32
          %dma_wait3A_125 = arith.constant 0 : i32
          %dma_wait3A_126 = tpu.memref_slice %arg6[%dma_wait3A_124, %dma_wait3A_125] : memref<10240x64xf32, #tpu.memory_space<hbm>> -> memref<128x64xf32, #tpu.memory_space<hbm>>
          tpu.wait_dma2 semaphore(%arg22 : memref<!tpu.dma_semaphore, #tpu.memory_space<semaphore_mem>>) src(%dma_wait3A_126 : memref<128x64xf32, #tpu.memory_space<hbm>>) dst(%arg15 : memref<128x64xf32, #tpu.memory_space<vmem>>)
        } else {
        }
        %add3A_114 = arith.constant 3 : i32
        %add3A_115 = arith.addi %scan3A_61, %add3A_114 : i32
        %lt3A_116 = arith.constant 157 : i32
        %lt3A_117 = arith.cmpi slt, %add3A_115, %lt3A_116 : i32
        %convert_element_type3A_118 = arith.extui %lt3A_117 : i1 to i32
        %cond3A_119 = arith.constant 0 : i32
        %cond3A_120 = arith.cmpi ne, %convert_element_type3A_118, %cond3A_119 : i32
        scf.if %cond3A_120 {
          %add3A_121 = arith.constant 3 : i32
          %add3A_122 = arith.addi %scan3A_61, %add3A_121 : i32
          %convert_element_type3A_123 = arith.extui %eq3A_0 : i1 to i32
          %cond3A_124 = arith.constant 0 : i32
          %cond3A_125 = arith.cmpi ne, %convert_element_type3A_123, %cond3A_124 : i32
          scf.if %cond3A_125 {
            %dma_start3A_131 = arith.constant 0 : i32
            %dma_start3A_132 = tpu.memref_slice %arg11[%add3A_122, %dma_start3A_131] : memref<157x128xi32, #tpu.memory_space<vmem>> -> memref<1x128xi32, #tpu.memory_space<vmem>>
            %dma_start3A_133 = tpu.memref_squeeze %dma_start3A_132 : memref<1x128xi32, #tpu.memory_space<vmem>> -> memref<128xi32, #tpu.memory_space<vmem>>
            %dma_start3A_134 = arith.constant 0 : i32
            %dma_start3A_135 = arith.constant 0 : i32
            %dma_start3A_136 = tpu.memref_slice %arg2[%dma_start3A_134, %dma_start3A_135] : memref<10000x64xf32, #tpu.memory_space<hbm>> -> memref<10000x64xf32, #tpu.memory_space<hbm>>
            tpu.enqueue_indirect_dma source(%dma_start3A_136 : memref<10000x64xf32, #tpu.memory_space<hbm>>) target(%arg15 : memref<128x64xf32, #tpu.memory_space<vmem>>) offsets(%dma_start3A_133 : memref<128xi32, #tpu.memory_space<vmem>>) semaphore(%arg22 : memref<!tpu.dma_semaphore, #tpu.memory_space<semaphore_mem>>)
          } else {
          }
          %not3A_126 = arith.constant true
          %not3A_127 = arith.xori %eq3A_0, %not3A_126 : i1
          %convert_element_type3A_128 = arith.extui %not3A_127 : i1 to i32
          %cond3A_129 = arith.constant 0 : i32
          %cond3A_130 = arith.cmpi ne, %convert_element_type3A_128, %cond3A_129 : i32
          scf.if %cond3A_130 {
            %dma_start3A_131 = arith.constant 0 : i32
            %dma_start3A_132 = tpu.memref_slice %arg11[%add3A_122, %dma_start3A_131] : memref<157x128xi32, #tpu.memory_space<vmem>> -> memref<1x128xi32, #tpu.memory_space<vmem>>
            %dma_start3A_133 = tpu.memref_squeeze %dma_start3A_132 : memref<1x128xi32, #tpu.memory_space<vmem>> -> memref<128xi32, #tpu.memory_space<vmem>>
            %dma_start3A_134 = arith.constant 0 : i32
            %dma_start3A_135 = arith.constant 0 : i32
            %dma_start3A_136 = tpu.memref_slice %arg3[%dma_start3A_134, %dma_start3A_135] : memref<10000x64xf32, #tpu.memory_space<hbm>> -> memref<10000x64xf32, #tpu.memory_space<hbm>>
            tpu.enqueue_indirect_dma source(%dma_start3A_136 : memref<10000x64xf32, #tpu.memory_space<hbm>>) target(%arg15 : memref<128x64xf32, #tpu.memory_space<vmem>>) offsets(%dma_start3A_133 : memref<128xi32, #tpu.memory_space<vmem>>) semaphore(%arg22 : memref<!tpu.dma_semaphore, #tpu.memory_space<semaphore_mem>>)
          } else {
          }
        } else {
        }
      } else {
      }
      %rem3A_90 = arith.constant 2 : i32
      %rem3A_91 = arith.remsi %scan3A_61, %rem3A_90 : i32
      %eq3A_92 = arith.cmpi eq, %rem3A_91, %arg0 : i32
      %convert_element_type3A_93 = arith.extui %eq3A_92 : i1 to i32
      %cond3A_94 = arith.constant 0 : i32
      %cond3A_95 = arith.cmpi ne, %convert_element_type3A_93, %cond3A_94 : i32
      scf.if %cond3A_95 {
        %ge3A = arith.constant 2 : i32
        %ge3A_97 = arith.cmpi sge, %scan3A_61, %ge3A : i32
        %convert_element_type3A_98 = arith.extui %ge3A_97 : i1 to i32
        %cond3A_99 = arith.constant 0 : i32
        %cond3A_100 = arith.cmpi ne, %convert_element_type3A_98, %cond3A_99 : i32
        scf.if %cond3A_100 {
          %dma_wait3A_106 = arith.constant 0 : i32
          %dma_wait3A_107 = arith.constant 0 : i32
          %dma_wait3A_108 = tpu.memref_slice %arg7[%dma_wait3A_106, %dma_wait3A_107] : memref<10240x16xf32, #tpu.memory_space<hbm>> -> memref<128x16xf32, #tpu.memory_space<hbm>>
          %dma_wait3A_109 = arith.constant 0 : i32
          %dma_wait3A_110 = arith.constant 0 : i32
          %dma_wait3A_111 = tpu.memref_slice %arg7[%dma_wait3A_109, %dma_wait3A_110] : memref<10240x16xf32, #tpu.memory_space<hbm>> -> memref<128x16xf32, #tpu.memory_space<hbm>>
          tpu.wait_dma2 semaphore(%arg24 : memref<!tpu.dma_semaphore, #tpu.memory_space<semaphore_mem>>) src(%dma_wait3A_111 : memref<128x16xf32, #tpu.memory_space<hbm>>) dst(%arg17 : memref<128x16xf32, #tpu.memory_space<vmem>>)
        } else {
        }
        %dma_start3A = arith.constant 0 : i32
        %dma_start3A_101 = tpu.memref_slice %arg12[%scan3A_61, %dma_start3A] : memref<157x128xi32, #tpu.memory_space<vmem>> -> memref<1x128xi32, #tpu.memory_space<vmem>>
        %dma_start3A_102 = tpu.memref_squeeze %dma_start3A_101 : memref<1x128xi32, #tpu.memory_space<vmem>> -> memref<128xi32, #tpu.memory_space<vmem>>
        %dma_start3A_103 = arith.constant 0 : i32
        %dma_start3A_104 = arith.constant 0 : i32
        %dma_start3A_105 = tpu.memref_slice %arg19[%dma_start3A_103, %dma_start3A_104] : memref<10240x16xf32, #tpu.memory_space<vmem_shared>> -> memref<10240x16xf32, #tpu.memory_space<vmem_shared>>
        tpu.enqueue_indirect_dma source(%arg17 : memref<128x16xf32, #tpu.memory_space<vmem>>) target(%dma_start3A_105 : memref<10240x16xf32, #tpu.memory_space<vmem_shared>>) offsets(%dma_start3A_102 : memref<128xi32, #tpu.memory_space<vmem>>) semaphore(%arg24 : memref<!tpu.dma_semaphore, #tpu.memory_space<semaphore_mem>>) {add = true}
      } else {
      }
      %scan3A_96 = arith.constant 0 : i32
      scf.yield %scan3A_96 : i32
    }
    %scan3A_28 = arith.constant 157 : i32
    %dma_wait3A = arith.constant 0 : i32
    %dma_wait3A_29 = arith.constant 0 : i32
    %dma_wait3A_30 = tpu.memref_slice %arg6[%dma_wait3A, %dma_wait3A_29] : memref<10240x64xf32, #tpu.memory_space<hbm>> -> memref<128x64xf32, #tpu.memory_space<hbm>>
    %dma_wait3A_31 = arith.constant 0 : i32
    %dma_wait3A_32 = arith.constant 0 : i32
    %dma_wait3A_33 = tpu.memref_slice %arg6[%dma_wait3A_31, %dma_wait3A_32] : memref<10240x64xf32, #tpu.memory_space<hbm>> -> memref<128x64xf32, #tpu.memory_space<hbm>>
    tpu.wait_dma2 semaphore(%arg21 : memref<!tpu.dma_semaphore, #tpu.memory_space<semaphore_mem>>) src(%dma_wait3A_33 : memref<128x64xf32, #tpu.memory_space<hbm>>) dst(%arg14 : memref<128x64xf32, #tpu.memory_space<vmem>>)
    %dma_wait3A_34 = arith.constant 0 : i32
    %dma_wait3A_35 = arith.constant 0 : i32
    %dma_wait3A_36 = tpu.memref_slice %arg6[%dma_wait3A_34, %dma_wait3A_35] : memref<10240x64xf32, #tpu.memory_space<hbm>> -> memref<128x64xf32, #tpu.memory_space<hbm>>
    %dma_wait3A_37 = arith.constant 0 : i32
    %dma_wait3A_38 = arith.constant 0 : i32
    %dma_wait3A_39 = tpu.memref_slice %arg6[%dma_wait3A_37, %dma_wait3A_38] : memref<10240x64xf32, #tpu.memory_space<hbm>> -> memref<128x64xf32, #tpu.memory_space<hbm>>
    tpu.wait_dma2 semaphore(%arg22 : memref<!tpu.dma_semaphore, #tpu.memory_space<semaphore_mem>>) src(%dma_wait3A_39 : memref<128x64xf32, #tpu.memory_space<hbm>>) dst(%arg15 : memref<128x64xf32, #tpu.memory_space<vmem>>)
    %dma_wait3A_40 = arith.constant 0 : i32
    %dma_wait3A_41 = arith.constant 0 : i32
    %dma_wait3A_42 = tpu.memref_slice %arg6[%dma_wait3A_40, %dma_wait3A_41] : memref<10240x64xf32, #tpu.memory_space<hbm>> -> memref<128x64xf32, #tpu.memory_space<hbm>>
    %dma_wait3A_43 = arith.constant 0 : i32
    %dma_wait3A_44 = arith.constant 0 : i32
    %dma_wait3A_45 = tpu.memref_slice %arg6[%dma_wait3A_43, %dma_wait3A_44] : memref<10240x64xf32, #tpu.memory_space<hbm>> -> memref<128x64xf32, #tpu.memory_space<hbm>>
    tpu.wait_dma2 semaphore(%arg23 : memref<!tpu.dma_semaphore, #tpu.memory_space<semaphore_mem>>) src(%dma_wait3A_45 : memref<128x64xf32, #tpu.memory_space<hbm>>) dst(%arg16 : memref<128x64xf32, #tpu.memory_space<vmem>>)
    %dma_wait3A_46 = arith.constant 0 : i32
    %dma_wait3A_47 = arith.constant 0 : i32
    %dma_wait3A_48 = tpu.memref_slice %arg6[%dma_wait3A_46, %dma_wait3A_47] : memref<10240x64xf32, #tpu.memory_space<hbm>> -> memref<128x64xf32, #tpu.memory_space<hbm>>
    %dma_wait3A_49 = arith.constant 0 : i32
    %dma_wait3A_50 = arith.constant 0 : i32
    %dma_wait3A_51 = tpu.memref_slice %arg6[%dma_wait3A_49, %dma_wait3A_50] : memref<10240x64xf32, #tpu.memory_space<hbm>> -> memref<128x64xf32, #tpu.memory_space<hbm>>
    tpu.wait_dma2 semaphore(%arg20 : memref<!tpu.dma_semaphore, #tpu.memory_space<semaphore_mem>>) src(%dma_wait3A_51 : memref<128x64xf32, #tpu.memory_space<hbm>>) dst(%arg13 : memref<128x64xf32, #tpu.memory_space<vmem>>)
    %dma_wait3A_52 = arith.constant 0 : i32
    %dma_wait3A_53 = arith.constant 0 : i32
    %dma_wait3A_54 = tpu.memref_slice %arg7[%dma_wait3A_52, %dma_wait3A_53] : memref<10240x16xf32, #tpu.memory_space<hbm>> -> memref<128x16xf32, #tpu.memory_space<hbm>>
    %dma_wait3A_55 = arith.constant 0 : i32
    %dma_wait3A_56 = arith.constant 0 : i32
    %dma_wait3A_57 = tpu.memref_slice %arg7[%dma_wait3A_55, %dma_wait3A_56] : memref<10240x16xf32, #tpu.memory_space<hbm>> -> memref<128x16xf32, #tpu.memory_space<hbm>>
    tpu.wait_dma2 semaphore(%arg24 : memref<!tpu.dma_semaphore, #tpu.memory_space<semaphore_mem>>) src(%dma_wait3A_57 : memref<128x16xf32, #tpu.memory_space<hbm>>) dst(%arg17 : memref<128x16xf32, #tpu.memory_space<vmem>>)
    %barrier3A_58 = arith.constant 0 : index
    tpu.barrier barrier_id(%barrier3A_58)
    %mul3A_59 = arith.constant 640 : i32
    %mul3A_60 = arith.muli %arg1, %mul3A_59 : i32
    "tpu.region"() ({
      %run_scoped3A = tpu.sem_alloc : memref<!tpu.dma_semaphore, #tpu.memory_space<semaphore_mem>>
      %dma_start3A = arith.constant 0 : i32
      %dma_start3A_61 = tpu.memref_slice %arg9[%arg0, %mul3A_60, %dma_start3A] : memref<2x10240x64xf32, #tpu.memory_space<hbm>> -> memref<1x640x64xf32, #tpu.memory_space<hbm>>
      %dma_start3A_62 = tpu.memref_squeeze %dma_start3A_61 : memref<1x640x64xf32, #tpu.memory_space<hbm>> -> memref<640x64xf32, #tpu.memory_space<hbm>>
      %dma_start3A_63 = arith.constant 0 : i32
      %dma_start3A_64 = tpu.memref_slice %arg18[%mul3A_60, %dma_start3A_63] : memref<10240x64xf32, #tpu.memory_space<vmem_shared>> -> memref<640x64xf32, #tpu.memory_space<vmem_shared>>
      tpu.enqueue_dma source(%dma_start3A_64 : memref<640x64xf32, #tpu.memory_space<vmem_shared>>) target(%dma_start3A_62 : memref<640x64xf32, #tpu.memory_space<hbm>>) target_semaphore(%run_scoped3A : memref<!tpu.dma_semaphore, #tpu.memory_space<semaphore_mem>>)
      %dma_wait3A_65 = arith.constant 0 : i32
      %dma_wait3A_66 = tpu.memref_slice %arg9[%arg0, %mul3A_60, %dma_wait3A_65] : memref<2x10240x64xf32, #tpu.memory_space<hbm>> -> memref<1x640x64xf32, #tpu.memory_space<hbm>>
      %dma_wait3A_67 = tpu.memref_squeeze %dma_wait3A_66 : memref<1x640x64xf32, #tpu.memory_space<hbm>> -> memref<640x64xf32, #tpu.memory_space<hbm>>
      %dma_wait3A_68 = arith.constant 0 : i32
      %dma_wait3A_69 = tpu.memref_slice %arg18[%mul3A_60, %dma_wait3A_68] : memref<10240x64xf32, #tpu.memory_space<vmem_shared>> -> memref<640x64xf32, #tpu.memory_space<vmem_shared>>
      tpu.wait_dma2 semaphore(%run_scoped3A : memref<!tpu.dma_semaphore, #tpu.memory_space<semaphore_mem>>) src(%dma_wait3A_69 : memref<640x64xf32, #tpu.memory_space<vmem_shared>>) dst(%dma_wait3A_67 : memref<640x64xf32, #tpu.memory_space<hbm>>)
      tpu.yield
    }) : () -> ()
    "tpu.region"() ({
      %run_scoped3A = tpu.sem_alloc : memref<!tpu.dma_semaphore, #tpu.memory_space<semaphore_mem>>
      %dma_start3A = arith.constant 0 : i32
      %dma_start3A_61 = tpu.memref_slice %arg10[%arg0, %mul3A_1, %dma_start3A] : memref<2x10240x16xf32, #tpu.memory_space<hbm>> -> memref<1x640x16xf32, #tpu.memory_space<hbm>>
      %dma_start3A_62 = tpu.memref_squeeze %dma_start3A_61 : memref<1x640x16xf32, #tpu.memory_space<hbm>> -> memref<640x16xf32, #tpu.memory_space<hbm>>
      %dma_start3A_63 = arith.constant 0 : i32
      %dma_start3A_64 = tpu.memref_slice %arg19[%mul3A_1, %dma_start3A_63] : memref<10240x16xf32, #tpu.memory_space<vmem_shared>> -> memref<640x16xf32, #tpu.memory_space<vmem_shared>>
      tpu.enqueue_dma source(%dma_start3A_64 : memref<640x16xf32, #tpu.memory_space<vmem_shared>>) target(%dma_start3A_62 : memref<640x16xf32, #tpu.memory_space<hbm>>) target_semaphore(%run_scoped3A : memref<!tpu.dma_semaphore, #tpu.memory_space<semaphore_mem>>)
      %dma_wait3A_65 = arith.constant 0 : i32
      %dma_wait3A_66 = tpu.memref_slice %arg10[%arg0, %mul3A_1, %dma_wait3A_65] : memref<2x10240x16xf32, #tpu.memory_space<hbm>> -> memref<1x640x16xf32, #tpu.memory_space<hbm>>
      %dma_wait3A_67 = tpu.memref_squeeze %dma_wait3A_66 : memref<1x640x16xf32, #tpu.memory_space<hbm>> -> memref<640x16xf32, #tpu.memory_space<hbm>>
      %dma_wait3A_68 = arith.constant 0 : i32
      %dma_wait3A_69 = tpu.memref_slice %arg19[%mul3A_1, %dma_wait3A_68] : memref<10240x16xf32, #tpu.memory_space<vmem_shared>> -> memref<640x16xf32, #tpu.memory_space<vmem_shared>>
      tpu.wait_dma2 semaphore(%run_scoped3A : memref<!tpu.dma_semaphore, #tpu.memory_space<semaphore_mem>>) src(%dma_wait3A_69 : memref<640x16xf32, #tpu.memory_space<vmem_shared>>) dst(%dma_wait3A_67 : memref<640x16xf32, #tpu.memory_space<hbm>>)
      tpu.yield
    }) : () -> ()
    return
  }
}

#map = affine_map<(d0, d1) -> (0, 0)>
#map1 = affine_map<(d0, d1) -> (0, 0, 0)>
module attributes {stable_mosaic.version = 14 : i64} {
  func.func @sc_agg(%arg0: i32, %arg1: i32, %arg2: memref<10000x64xf32, #tpu.memory_space<hbm>>, %arg3: memref<10000x64xf32, #tpu.memory_space<hbm>>, %arg4: memref<16x157x128xi32, #tpu.memory_space<hbm>>, %arg5: memref<16x157x128xi32, #tpu.memory_space<hbm>>, %arg6: memref<10240x64xf32, #tpu.memory_space<hbm>>, %arg7: memref<10240x16xf32, #tpu.memory_space<hbm>>, %arg8: memref<128x16xf32, #tpu.memory_space<hbm>>, %arg9: memref<2x2048x64xf32, #tpu.memory_space<hbm>>, %arg10: memref<157x128xi32, #tpu.memory_space<vmem>>, %arg11: memref<157x128xi32, #tpu.memory_space<vmem>>, %arg12: memref<128x64xf32, #tpu.memory_space<vmem>>, %arg13: memref<128x64xf32, #tpu.memory_space<vmem>>, %arg14: memref<128x64xf32, #tpu.memory_space<vmem>>, %arg15: memref<128x64xf32, #tpu.memory_space<vmem>>, %arg16: memref<128x16xf32, #tpu.memory_space<vmem>>, %arg17: memref<10240x64xf32, #tpu.memory_space<vmem_shared>>, %arg18: memref<10240x16xf32, #tpu.memory_space<vmem_shared>>, %arg19: memref<!tpu.dma_semaphore, #tpu.memory_space<semaphore_mem>>, %arg20: memref<!tpu.dma_semaphore, #tpu.memory_space<semaphore_mem>>, %arg21: memref<!tpu.dma_semaphore, #tpu.memory_space<semaphore_mem>>, %arg22: memref<!tpu.dma_semaphore, #tpu.memory_space<semaphore_mem>>, %arg23: memref<!tpu.dma_semaphore, #tpu.memory_space<semaphore_mem>>) attributes {dimension_semantics = [#tpu.dimension_semantics<core_parallel>, #tpu.dimension_semantics<subcore_parallel>], iteration_bounds = array<i64: 2, 16>, scalar_prefetch = 0 : i64, scratch_operands = 14 : i64, tpu.core_type = #tpu.core_type<sc_vector_subcore>, window_params = [{transform_indices = #map}, {transform_indices = #map}, {transform_indices = #map1}, {transform_indices = #map1}, {transform_indices = #map}, {transform_indices = #map}, {transform_indices = #map}, {transform_indices = #map1}]} {
    %eq3A = arith.constant 0 : i32
    %eq3A_0 = arith.cmpi eq, %arg0, %eq3A : i32
    %mul3A = arith.constant 640 : i32
    %mul3A_1 = arith.muli %arg1, %mul3A : i32
    "tpu.region"() ({
      %run_scoped3A = tpu.sem_alloc : memref<!tpu.dma_semaphore, #tpu.memory_space<semaphore_mem>>
      %dma_start3A = arith.constant 0 : i32
      %dma_start3A_55 = tpu.memref_slice %arg17[%mul3A_1, %dma_start3A] : memref<10240x64xf32, #tpu.memory_space<vmem_shared>> -> memref<640x64xf32, #tpu.memory_space<vmem_shared>>
      %dma_start3A_56 = arith.constant 0 : i32
      %dma_start3A_57 = tpu.memref_slice %arg6[%mul3A_1, %dma_start3A_56] : memref<10240x64xf32, #tpu.memory_space<hbm>> -> memref<640x64xf32, #tpu.memory_space<hbm>>
      tpu.enqueue_dma source(%dma_start3A_57 : memref<640x64xf32, #tpu.memory_space<hbm>>) target(%dma_start3A_55 : memref<640x64xf32, #tpu.memory_space<vmem_shared>>) target_semaphore(%run_scoped3A : memref<!tpu.dma_semaphore, #tpu.memory_space<semaphore_mem>>)
      %dma_wait3A_58 = arith.constant 0 : i32
      %dma_wait3A_59 = tpu.memref_slice %arg17[%mul3A_1, %dma_wait3A_58] : memref<10240x64xf32, #tpu.memory_space<vmem_shared>> -> memref<640x64xf32, #tpu.memory_space<vmem_shared>>
      %dma_wait3A_60 = arith.constant 0 : i32
      %dma_wait3A_61 = tpu.memref_slice %arg6[%mul3A_1, %dma_wait3A_60] : memref<10240x64xf32, #tpu.memory_space<hbm>> -> memref<640x64xf32, #tpu.memory_space<hbm>>
      tpu.wait_dma2 semaphore(%run_scoped3A : memref<!tpu.dma_semaphore, #tpu.memory_space<semaphore_mem>>) src(%dma_wait3A_61 : memref<640x64xf32, #tpu.memory_space<hbm>>) dst(%dma_wait3A_59 : memref<640x64xf32, #tpu.memory_space<vmem_shared>>)
      tpu.yield
    }) : () -> ()
    "tpu.region"() ({
      %run_scoped3A = tpu.sem_alloc : memref<!tpu.dma_semaphore, #tpu.memory_space<semaphore_mem>>
      %dma_start3A = arith.constant 0 : i32
      %dma_start3A_55 = arith.constant 0 : i32
      %dma_start3A_56 = tpu.memref_slice %arg4[%arg1, %dma_start3A, %dma_start3A_55] : memref<16x157x128xi32, #tpu.memory_space<hbm>> -> memref<1x157x128xi32, #tpu.memory_space<hbm>>
      %dma_start3A_57 = tpu.memref_squeeze %dma_start3A_56 : memref<1x157x128xi32, #tpu.memory_space<hbm>> -> memref<157x128xi32, #tpu.memory_space<hbm>>
      %dma_start3A_58 = arith.constant 0 : i32
      %dma_start3A_59 = arith.constant 0 : i32
      %dma_start3A_60 = tpu.memref_slice %arg4[%arg1, %dma_start3A_58, %dma_start3A_59] : memref<16x157x128xi32, #tpu.memory_space<hbm>> -> memref<1x157x128xi32, #tpu.memory_space<hbm>>
      %dma_start3A_61 = tpu.memref_squeeze %dma_start3A_60 : memref<1x157x128xi32, #tpu.memory_space<hbm>> -> memref<157x128xi32, #tpu.memory_space<hbm>>
      tpu.enqueue_dma source(%dma_start3A_61 : memref<157x128xi32, #tpu.memory_space<hbm>>) target(%arg10 : memref<157x128xi32, #tpu.memory_space<vmem>>) target_semaphore(%run_scoped3A : memref<!tpu.dma_semaphore, #tpu.memory_space<semaphore_mem>>)
      %dma_wait3A_62 = arith.constant 0 : i32
      %dma_wait3A_63 = arith.constant 0 : i32
      %dma_wait3A_64 = tpu.memref_slice %arg4[%arg1, %dma_wait3A_62, %dma_wait3A_63] : memref<16x157x128xi32, #tpu.memory_space<hbm>> -> memref<1x157x128xi32, #tpu.memory_space<hbm>>
      %dma_wait3A_65 = tpu.memref_squeeze %dma_wait3A_64 : memref<1x157x128xi32, #tpu.memory_space<hbm>> -> memref<157x128xi32, #tpu.memory_space<hbm>>
      %dma_wait3A_66 = arith.constant 0 : i32
      %dma_wait3A_67 = arith.constant 0 : i32
      %dma_wait3A_68 = tpu.memref_slice %arg4[%arg1, %dma_wait3A_66, %dma_wait3A_67] : memref<16x157x128xi32, #tpu.memory_space<hbm>> -> memref<1x157x128xi32, #tpu.memory_space<hbm>>
      %dma_wait3A_69 = tpu.memref_squeeze %dma_wait3A_68 : memref<1x157x128xi32, #tpu.memory_space<hbm>> -> memref<157x128xi32, #tpu.memory_space<hbm>>
      tpu.wait_dma2 semaphore(%run_scoped3A : memref<!tpu.dma_semaphore, #tpu.memory_space<semaphore_mem>>) src(%dma_wait3A_69 : memref<157x128xi32, #tpu.memory_space<hbm>>) dst(%arg10 : memref<157x128xi32, #tpu.memory_space<vmem>>)
      tpu.yield
    }) : () -> ()
    "tpu.region"() ({
      %run_scoped3A = tpu.sem_alloc : memref<!tpu.dma_semaphore, #tpu.memory_space<semaphore_mem>>
      %dma_start3A = arith.constant 0 : i32
      %dma_start3A_55 = arith.constant 0 : i32
      %dma_start3A_56 = tpu.memref_slice %arg5[%arg1, %dma_start3A, %dma_start3A_55] : memref<16x157x128xi32, #tpu.memory_space<hbm>> -> memref<1x157x128xi32, #tpu.memory_space<hbm>>
      %dma_start3A_57 = tpu.memref_squeeze %dma_start3A_56 : memref<1x157x128xi32, #tpu.memory_space<hbm>> -> memref<157x128xi32, #tpu.memory_space<hbm>>
      %dma_start3A_58 = arith.constant 0 : i32
      %dma_start3A_59 = arith.constant 0 : i32
      %dma_start3A_60 = tpu.memref_slice %arg5[%arg1, %dma_start3A_58, %dma_start3A_59] : memref<16x157x128xi32, #tpu.memory_space<hbm>> -> memref<1x157x128xi32, #tpu.memory_space<hbm>>
      %dma_start3A_61 = tpu.memref_squeeze %dma_start3A_60 : memref<1x157x128xi32, #tpu.memory_space<hbm>> -> memref<157x128xi32, #tpu.memory_space<hbm>>
      tpu.enqueue_dma source(%dma_start3A_61 : memref<157x128xi32, #tpu.memory_space<hbm>>) target(%arg11 : memref<157x128xi32, #tpu.memory_space<vmem>>) target_semaphore(%run_scoped3A : memref<!tpu.dma_semaphore, #tpu.memory_space<semaphore_mem>>)
      %dma_wait3A_62 = arith.constant 0 : i32
      %dma_wait3A_63 = arith.constant 0 : i32
      %dma_wait3A_64 = tpu.memref_slice %arg5[%arg1, %dma_wait3A_62, %dma_wait3A_63] : memref<16x157x128xi32, #tpu.memory_space<hbm>> -> memref<1x157x128xi32, #tpu.memory_space<hbm>>
      %dma_wait3A_65 = tpu.memref_squeeze %dma_wait3A_64 : memref<1x157x128xi32, #tpu.memory_space<hbm>> -> memref<157x128xi32, #tpu.memory_space<hbm>>
      %dma_wait3A_66 = arith.constant 0 : i32
      %dma_wait3A_67 = arith.constant 0 : i32
      %dma_wait3A_68 = tpu.memref_slice %arg5[%arg1, %dma_wait3A_66, %dma_wait3A_67] : memref<16x157x128xi32, #tpu.memory_space<hbm>> -> memref<1x157x128xi32, #tpu.memory_space<hbm>>
      %dma_wait3A_69 = tpu.memref_squeeze %dma_wait3A_68 : memref<1x157x128xi32, #tpu.memory_space<hbm>> -> memref<157x128xi32, #tpu.memory_space<hbm>>
      tpu.wait_dma2 semaphore(%run_scoped3A : memref<!tpu.dma_semaphore, #tpu.memory_space<semaphore_mem>>) src(%dma_wait3A_69 : memref<157x128xi32, #tpu.memory_space<hbm>>) dst(%arg11 : memref<157x128xi32, #tpu.memory_space<vmem>>)
      tpu.yield
    }) : () -> ()
    %barrier3A = arith.constant 0 : index
    tpu.barrier barrier_id(%barrier3A)
    %convert_element_type3A = arith.extui %eq3A_0 : i1 to i32
    %cond3A = arith.constant 0 : i32
    %cond3A_2 = arith.cmpi ne, %convert_element_type3A, %cond3A : i32
    scf.if %cond3A_2 {
      %dma_start3A = arith.constant 0 : i32
      %dma_start3A_55 = arith.constant 0 : i32
      %dma_start3A_56 = tpu.memref_slice %arg10[%dma_start3A, %dma_start3A_55] : memref<157x128xi32, #tpu.memory_space<vmem>> -> memref<1x128xi32, #tpu.memory_space<vmem>>
      %dma_start3A_57 = tpu.memref_squeeze %dma_start3A_56 : memref<1x128xi32, #tpu.memory_space<vmem>> -> memref<128xi32, #tpu.memory_space<vmem>>
      %dma_start3A_58 = arith.constant 0 : i32
      %dma_start3A_59 = arith.constant 0 : i32
      %dma_start3A_60 = tpu.memref_slice %arg2[%dma_start3A_58, %dma_start3A_59] : memref<10000x64xf32, #tpu.memory_space<hbm>> -> memref<10000x64xf32, #tpu.memory_space<hbm>>
      tpu.enqueue_indirect_dma source(%dma_start3A_60 : memref<10000x64xf32, #tpu.memory_space<hbm>>) target(%arg12 : memref<128x64xf32, #tpu.memory_space<vmem>>) offsets(%dma_start3A_57 : memref<128xi32, #tpu.memory_space<vmem>>) semaphore(%arg19 : memref<!tpu.dma_semaphore, #tpu.memory_space<semaphore_mem>>)
    } else {
    }
    %not3A = arith.constant true
    %not3A_3 = arith.xori %eq3A_0, %not3A : i1
    %convert_element_type3A_4 = arith.extui %not3A_3 : i1 to i32
    %cond3A_5 = arith.constant 0 : i32
    %cond3A_6 = arith.cmpi ne, %convert_element_type3A_4, %cond3A_5 : i32
    scf.if %cond3A_6 {
      %dma_start3A = arith.constant 0 : i32
      %dma_start3A_55 = arith.constant 0 : i32
      %dma_start3A_56 = tpu.memref_slice %arg10[%dma_start3A, %dma_start3A_55] : memref<157x128xi32, #tpu.memory_space<vmem>> -> memref<1x128xi32, #tpu.memory_space<vmem>>
      %dma_start3A_57 = tpu.memref_squeeze %dma_start3A_56 : memref<1x128xi32, #tpu.memory_space<vmem>> -> memref<128xi32, #tpu.memory_space<vmem>>
      %dma_start3A_58 = arith.constant 0 : i32
      %dma_start3A_59 = arith.constant 0 : i32
      %dma_start3A_60 = tpu.memref_slice %arg3[%dma_start3A_58, %dma_start3A_59] : memref<10000x64xf32, #tpu.memory_space<hbm>> -> memref<10000x64xf32, #tpu.memory_space<hbm>>
      tpu.enqueue_indirect_dma source(%dma_start3A_60 : memref<10000x64xf32, #tpu.memory_space<hbm>>) target(%arg12 : memref<128x64xf32, #tpu.memory_space<vmem>>) offsets(%dma_start3A_57 : memref<128xi32, #tpu.memory_space<vmem>>) semaphore(%arg19 : memref<!tpu.dma_semaphore, #tpu.memory_space<semaphore_mem>>)
    } else {
    }
    %convert_element_type3A_7 = arith.extui %eq3A_0 : i1 to i32
    %cond3A_8 = arith.constant 0 : i32
    %cond3A_9 = arith.cmpi ne, %convert_element_type3A_7, %cond3A_8 : i32
    scf.if %cond3A_9 {
      %dma_start3A = arith.constant 1 : i32
      %dma_start3A_55 = arith.constant 0 : i32
      %dma_start3A_56 = tpu.memref_slice %arg10[%dma_start3A, %dma_start3A_55] : memref<157x128xi32, #tpu.memory_space<vmem>> -> memref<1x128xi32, #tpu.memory_space<vmem>>
      %dma_start3A_57 = tpu.memref_squeeze %dma_start3A_56 : memref<1x128xi32, #tpu.memory_space<vmem>> -> memref<128xi32, #tpu.memory_space<vmem>>
      %dma_start3A_58 = arith.constant 0 : i32
      %dma_start3A_59 = arith.constant 0 : i32
      %dma_start3A_60 = tpu.memref_slice %arg2[%dma_start3A_58, %dma_start3A_59] : memref<10000x64xf32, #tpu.memory_space<hbm>> -> memref<10000x64xf32, #tpu.memory_space<hbm>>
      tpu.enqueue_indirect_dma source(%dma_start3A_60 : memref<10000x64xf32, #tpu.memory_space<hbm>>) target(%arg13 : memref<128x64xf32, #tpu.memory_space<vmem>>) offsets(%dma_start3A_57 : memref<128xi32, #tpu.memory_space<vmem>>) semaphore(%arg20 : memref<!tpu.dma_semaphore, #tpu.memory_space<semaphore_mem>>)
    } else {
    }
    %not3A_10 = arith.constant true
    %not3A_11 = arith.xori %eq3A_0, %not3A_10 : i1
    %convert_element_type3A_12 = arith.extui %not3A_11 : i1 to i32
    %cond3A_13 = arith.constant 0 : i32
    %cond3A_14 = arith.cmpi ne, %convert_element_type3A_12, %cond3A_13 : i32
    scf.if %cond3A_14 {
      %dma_start3A = arith.constant 1 : i32
      %dma_start3A_55 = arith.constant 0 : i32
      %dma_start3A_56 = tpu.memref_slice %arg10[%dma_start3A, %dma_start3A_55] : memref<157x128xi32, #tpu.memory_space<vmem>> -> memref<1x128xi32, #tpu.memory_space<vmem>>
      %dma_start3A_57 = tpu.memref_squeeze %dma_start3A_56 : memref<1x128xi32, #tpu.memory_space<vmem>> -> memref<128xi32, #tpu.memory_space<vmem>>
      %dma_start3A_58 = arith.constant 0 : i32
      %dma_start3A_59 = arith.constant 0 : i32
      %dma_start3A_60 = tpu.memref_slice %arg3[%dma_start3A_58, %dma_start3A_59] : memref<10000x64xf32, #tpu.memory_space<hbm>> -> memref<10000x64xf32, #tpu.memory_space<hbm>>
      tpu.enqueue_indirect_dma source(%dma_start3A_60 : memref<10000x64xf32, #tpu.memory_space<hbm>>) target(%arg13 : memref<128x64xf32, #tpu.memory_space<vmem>>) offsets(%dma_start3A_57 : memref<128xi32, #tpu.memory_space<vmem>>) semaphore(%arg20 : memref<!tpu.dma_semaphore, #tpu.memory_space<semaphore_mem>>)
    } else {
    }
    %convert_element_type3A_15 = arith.extui %eq3A_0 : i1 to i32
    %cond3A_16 = arith.constant 0 : i32
    %cond3A_17 = arith.cmpi ne, %convert_element_type3A_15, %cond3A_16 : i32
    scf.if %cond3A_17 {
      %dma_start3A = arith.constant 2 : i32
      %dma_start3A_55 = arith.constant 0 : i32
      %dma_start3A_56 = tpu.memref_slice %arg10[%dma_start3A, %dma_start3A_55] : memref<157x128xi32, #tpu.memory_space<vmem>> -> memref<1x128xi32, #tpu.memory_space<vmem>>
      %dma_start3A_57 = tpu.memref_squeeze %dma_start3A_56 : memref<1x128xi32, #tpu.memory_space<vmem>> -> memref<128xi32, #tpu.memory_space<vmem>>
      %dma_start3A_58 = arith.constant 0 : i32
      %dma_start3A_59 = arith.constant 0 : i32
      %dma_start3A_60 = tpu.memref_slice %arg2[%dma_start3A_58, %dma_start3A_59] : memref<10000x64xf32, #tpu.memory_space<hbm>> -> memref<10000x64xf32, #tpu.memory_space<hbm>>
      tpu.enqueue_indirect_dma source(%dma_start3A_60 : memref<10000x64xf32, #tpu.memory_space<hbm>>) target(%arg14 : memref<128x64xf32, #tpu.memory_space<vmem>>) offsets(%dma_start3A_57 : memref<128xi32, #tpu.memory_space<vmem>>) semaphore(%arg21 : memref<!tpu.dma_semaphore, #tpu.memory_space<semaphore_mem>>)
    } else {
    }
    %not3A_18 = arith.constant true
    %not3A_19 = arith.xori %eq3A_0, %not3A_18 : i1
    %convert_element_type3A_20 = arith.extui %not3A_19 : i1 to i32
    %cond3A_21 = arith.constant 0 : i32
    %cond3A_22 = arith.cmpi ne, %convert_element_type3A_20, %cond3A_21 : i32
    scf.if %cond3A_22 {
      %dma_start3A = arith.constant 2 : i32
      %dma_start3A_55 = arith.constant 0 : i32
      %dma_start3A_56 = tpu.memref_slice %arg10[%dma_start3A, %dma_start3A_55] : memref<157x128xi32, #tpu.memory_space<vmem>> -> memref<1x128xi32, #tpu.memory_space<vmem>>
      %dma_start3A_57 = tpu.memref_squeeze %dma_start3A_56 : memref<1x128xi32, #tpu.memory_space<vmem>> -> memref<128xi32, #tpu.memory_space<vmem>>
      %dma_start3A_58 = arith.constant 0 : i32
      %dma_start3A_59 = arith.constant 0 : i32
      %dma_start3A_60 = tpu.memref_slice %arg3[%dma_start3A_58, %dma_start3A_59] : memref<10000x64xf32, #tpu.memory_space<hbm>> -> memref<10000x64xf32, #tpu.memory_space<hbm>>
      tpu.enqueue_indirect_dma source(%dma_start3A_60 : memref<10000x64xf32, #tpu.memory_space<hbm>>) target(%arg14 : memref<128x64xf32, #tpu.memory_space<vmem>>) offsets(%dma_start3A_57 : memref<128xi32, #tpu.memory_space<vmem>>) semaphore(%arg21 : memref<!tpu.dma_semaphore, #tpu.memory_space<semaphore_mem>>)
    } else {
    }
    %scan3A = arith.constant 0 : i32
    %scan3A_23 = arith.constant 0 : i32
    %scan3A_24 = arith.constant 157 : i32
    %scan3A_25 = arith.addi %scan3A_23, %scan3A_24 : i32
    %scan3A_26 = arith.constant 1 : i32
    %scan3A_27 = scf.for %scan3A_55 = %scan3A_23 to %scan3A_25 step %scan3A_26 iter_args(%scan3A_56 = %scan3A) -> (i32)  : i32 {
      %rem3A = arith.constant 4 : i32
      %rem3A_57 = arith.remsi %scan3A_55, %rem3A : i32
      %eq3A_58 = arith.constant 0 : i32
      %eq3A_59 = arith.cmpi eq, %rem3A_57, %eq3A_58 : i32
      %convert_element_type3A_60 = arith.extui %eq3A_59 : i1 to i32
      %cond3A_61 = arith.constant 0 : i32
      %cond3A_62 = arith.cmpi ne, %convert_element_type3A_60, %cond3A_61 : i32
      scf.if %cond3A_62 {
        %dma_wait3A_85 = arith.constant 0 : i32
        %dma_wait3A_86 = arith.constant 0 : i32
        %dma_wait3A_87 = tpu.memref_slice %arg6[%dma_wait3A_85, %dma_wait3A_86] : memref<10240x64xf32, #tpu.memory_space<hbm>> -> memref<128x64xf32, #tpu.memory_space<hbm>>
        %dma_wait3A_88 = arith.constant 0 : i32
        %dma_wait3A_89 = arith.constant 0 : i32
        %dma_wait3A_90 = tpu.memref_slice %arg6[%dma_wait3A_88, %dma_wait3A_89] : memref<10240x64xf32, #tpu.memory_space<hbm>> -> memref<128x64xf32, #tpu.memory_space<hbm>>
        tpu.wait_dma2 semaphore(%arg19 : memref<!tpu.dma_semaphore, #tpu.memory_space<semaphore_mem>>) src(%dma_wait3A_90 : memref<128x64xf32, #tpu.memory_space<hbm>>) dst(%arg12 : memref<128x64xf32, #tpu.memory_space<vmem>>)
        %dma_start3A = arith.constant 0 : i32
        %dma_start3A_91 = tpu.memref_slice %arg11[%scan3A_55, %dma_start3A] : memref<157x128xi32, #tpu.memory_space<vmem>> -> memref<1x128xi32, #tpu.memory_space<vmem>>
        %dma_start3A_92 = tpu.memref_squeeze %dma_start3A_91 : memref<1x128xi32, #tpu.memory_space<vmem>> -> memref<128xi32, #tpu.memory_space<vmem>>
        %dma_start3A_93 = arith.constant 0 : i32
        %dma_start3A_94 = arith.constant 0 : i32
        %dma_start3A_95 = tpu.memref_slice %arg17[%dma_start3A_93, %dma_start3A_94] : memref<10240x64xf32, #tpu.memory_space<vmem_shared>> -> memref<10240x64xf32, #tpu.memory_space<vmem_shared>>
        tpu.enqueue_indirect_dma source(%arg12 : memref<128x64xf32, #tpu.memory_space<vmem>>) target(%dma_start3A_95 : memref<10240x64xf32, #tpu.memory_space<vmem_shared>>) offsets(%dma_start3A_92 : memref<128xi32, #tpu.memory_space<vmem>>) semaphore(%arg19 : memref<!tpu.dma_semaphore, #tpu.memory_space<semaphore_mem>>) {add = true}
        %ge3A = arith.constant 1 : i32
        %ge3A_96 = arith.cmpi sge, %scan3A_55, %ge3A : i32
        %add3A = arith.constant 3 : i32
        %add3A_97 = arith.addi %scan3A_55, %add3A : i32
        %lt3A = arith.constant 157 : i32
        %lt3A_98 = arith.cmpi slt, %add3A_97, %lt3A : i32
        %and3A = arith.andi %ge3A_96, %lt3A_98 : i1
        %convert_element_type3A_99 = arith.extui %and3A : i1 to i32
        %cond3A_100 = arith.constant 0 : i32
        %cond3A_101 = arith.cmpi ne, %convert_element_type3A_99, %cond3A_100 : i32
        scf.if %cond3A_101 {
          %dma_wait3A_109 = arith.constant 0 : i32
          %dma_wait3A_110 = arith.constant 0 : i32
          %dma_wait3A_111 = tpu.memref_slice %arg6[%dma_wait3A_109, %dma_wait3A_110] : memref<10240x64xf32, #tpu.memory_space<hbm>> -> memref<128x64xf32, #tpu.memory_space<hbm>>
          %dma_wait3A_112 = arith.constant 0 : i32
          %dma_wait3A_113 = arith.constant 0 : i32
          %dma_wait3A_114 = tpu.memref_slice %arg6[%dma_wait3A_112, %dma_wait3A_113] : memref<10240x64xf32, #tpu.memory_space<hbm>> -> memref<128x64xf32, #tpu.memory_space<hbm>>
          tpu.wait_dma2 semaphore(%arg22 : memref<!tpu.dma_semaphore, #tpu.memory_space<semaphore_mem>>) src(%dma_wait3A_114 : memref<128x64xf32, #tpu.memory_space<hbm>>) dst(%arg15 : memref<128x64xf32, #tpu.memory_space<vmem>>)
        } else {
        }
        %add3A_102 = arith.constant 3 : i32
        %add3A_103 = arith.addi %scan3A_55, %add3A_102 : i32
        %lt3A_104 = arith.constant 157 : i32
        %lt3A_105 = arith.cmpi slt, %add3A_103, %lt3A_104 : i32
        %convert_element_type3A_106 = arith.extui %lt3A_105 : i1 to i32
        %cond3A_107 = arith.constant 0 : i32
        %cond3A_108 = arith.cmpi ne, %convert_element_type3A_106, %cond3A_107 : i32
        scf.if %cond3A_108 {
          %add3A_109 = arith.constant 3 : i32
          %add3A_110 = arith.addi %scan3A_55, %add3A_109 : i32
          %convert_element_type3A_111 = arith.extui %eq3A_0 : i1 to i32
          %cond3A_112 = arith.constant 0 : i32
          %cond3A_113 = arith.cmpi ne, %convert_element_type3A_111, %cond3A_112 : i32
          scf.if %cond3A_113 {
            %dma_start3A_119 = arith.constant 0 : i32
            %dma_start3A_120 = tpu.memref_slice %arg10[%add3A_110, %dma_start3A_119] : memref<157x128xi32, #tpu.memory_space<vmem>> -> memref<1x128xi32, #tpu.memory_space<vmem>>
            %dma_start3A_121 = tpu.memref_squeeze %dma_start3A_120 : memref<1x128xi32, #tpu.memory_space<vmem>> -> memref<128xi32, #tpu.memory_space<vmem>>
            %dma_start3A_122 = arith.constant 0 : i32
            %dma_start3A_123 = arith.constant 0 : i32
            %dma_start3A_124 = tpu.memref_slice %arg2[%dma_start3A_122, %dma_start3A_123] : memref<10000x64xf32, #tpu.memory_space<hbm>> -> memref<10000x64xf32, #tpu.memory_space<hbm>>
            tpu.enqueue_indirect_dma source(%dma_start3A_124 : memref<10000x64xf32, #tpu.memory_space<hbm>>) target(%arg15 : memref<128x64xf32, #tpu.memory_space<vmem>>) offsets(%dma_start3A_121 : memref<128xi32, #tpu.memory_space<vmem>>) semaphore(%arg22 : memref<!tpu.dma_semaphore, #tpu.memory_space<semaphore_mem>>)
          } else {
          }
          %not3A_114 = arith.constant true
          %not3A_115 = arith.xori %eq3A_0, %not3A_114 : i1
          %convert_element_type3A_116 = arith.extui %not3A_115 : i1 to i32
          %cond3A_117 = arith.constant 0 : i32
          %cond3A_118 = arith.cmpi ne, %convert_element_type3A_116, %cond3A_117 : i32
          scf.if %cond3A_118 {
            %dma_start3A_119 = arith.constant 0 : i32
            %dma_start3A_120 = tpu.memref_slice %arg10[%add3A_110, %dma_start3A_119] : memref<157x128xi32, #tpu.memory_space<vmem>> -> memref<1x128xi32, #tpu.memory_space<vmem>>
            %dma_start3A_121 = tpu.memref_squeeze %dma_start3A_120 : memref<1x128xi32, #tpu.memory_space<vmem>> -> memref<128xi32, #tpu.memory_space<vmem>>
            %dma_start3A_122 = arith.constant 0 : i32
            %dma_start3A_123 = arith.constant 0 : i32
            %dma_start3A_124 = tpu.memref_slice %arg3[%dma_start3A_122, %dma_start3A_123] : memref<10000x64xf32, #tpu.memory_space<hbm>> -> memref<10000x64xf32, #tpu.memory_space<hbm>>
            tpu.enqueue_indirect_dma source(%dma_start3A_124 : memref<10000x64xf32, #tpu.memory_space<hbm>>) target(%arg15 : memref<128x64xf32, #tpu.memory_space<vmem>>) offsets(%dma_start3A_121 : memref<128xi32, #tpu.memory_space<vmem>>) semaphore(%arg22 : memref<!tpu.dma_semaphore, #tpu.memory_space<semaphore_mem>>)
          } else {
          }
        } else {
        }
      } else {
      }
      %rem3A_63 = arith.constant 4 : i32
      %rem3A_64 = arith.remsi %scan3A_55, %rem3A_63 : i32
      %eq3A_65 = arith.constant 1 : i32
      %eq3A_66 = arith.cmpi eq, %rem3A_64, %eq3A_65 : i32
      %convert_element_type3A_67 = arith.extui %eq3A_66 : i1 to i32
      %cond3A_68 = arith.constant 0 : i32
      %cond3A_69 = arith.cmpi ne, %convert_element_type3A_67, %cond3A_68 : i32
      scf.if %cond3A_69 {
        %dma_wait3A_85 = arith.constant 0 : i32
        %dma_wait3A_86 = arith.constant 0 : i32
        %dma_wait3A_87 = tpu.memref_slice %arg6[%dma_wait3A_85, %dma_wait3A_86] : memref<10240x64xf32, #tpu.memory_space<hbm>> -> memref<128x64xf32, #tpu.memory_space<hbm>>
        %dma_wait3A_88 = arith.constant 0 : i32
        %dma_wait3A_89 = arith.constant 0 : i32
        %dma_wait3A_90 = tpu.memref_slice %arg6[%dma_wait3A_88, %dma_wait3A_89] : memref<10240x64xf32, #tpu.memory_space<hbm>> -> memref<128x64xf32, #tpu.memory_space<hbm>>
        tpu.wait_dma2 semaphore(%arg20 : memref<!tpu.dma_semaphore, #tpu.memory_space<semaphore_mem>>) src(%dma_wait3A_90 : memref<128x64xf32, #tpu.memory_space<hbm>>) dst(%arg13 : memref<128x64xf32, #tpu.memory_space<vmem>>)
        %dma_start3A = arith.constant 0 : i32
        %dma_start3A_91 = tpu.memref_slice %arg11[%scan3A_55, %dma_start3A] : memref<157x128xi32, #tpu.memory_space<vmem>> -> memref<1x128xi32, #tpu.memory_space<vmem>>
        %dma_start3A_92 = tpu.memref_squeeze %dma_start3A_91 : memref<1x128xi32, #tpu.memory_space<vmem>> -> memref<128xi32, #tpu.memory_space<vmem>>
        %dma_start3A_93 = arith.constant 0 : i32
        %dma_start3A_94 = arith.constant 0 : i32
        %dma_start3A_95 = tpu.memref_slice %arg17[%dma_start3A_93, %dma_start3A_94] : memref<10240x64xf32, #tpu.memory_space<vmem_shared>> -> memref<10240x64xf32, #tpu.memory_space<vmem_shared>>
        tpu.enqueue_indirect_dma source(%arg13 : memref<128x64xf32, #tpu.memory_space<vmem>>) target(%dma_start3A_95 : memref<10240x64xf32, #tpu.memory_space<vmem_shared>>) offsets(%dma_start3A_92 : memref<128xi32, #tpu.memory_space<vmem>>) semaphore(%arg20 : memref<!tpu.dma_semaphore, #tpu.memory_space<semaphore_mem>>) {add = true}
        %ge3A = arith.constant 1 : i32
        %ge3A_96 = arith.cmpi sge, %scan3A_55, %ge3A : i32
        %add3A = arith.constant 3 : i32
        %add3A_97 = arith.addi %scan3A_55, %add3A : i32
        %lt3A = arith.constant 157 : i32
        %lt3A_98 = arith.cmpi slt, %add3A_97, %lt3A : i32
        %and3A = arith.andi %ge3A_96, %lt3A_98 : i1
        %convert_element_type3A_99 = arith.extui %and3A : i1 to i32
        %cond3A_100 = arith.constant 0 : i32
        %cond3A_101 = arith.cmpi ne, %convert_element_type3A_99, %cond3A_100 : i32
        scf.if %cond3A_101 {
          %dma_wait3A_109 = arith.constant 0 : i32
          %dma_wait3A_110 = arith.constant 0 : i32
          %dma_wait3A_111 = tpu.memref_slice %arg6[%dma_wait3A_109, %dma_wait3A_110] : memref<10240x64xf32, #tpu.memory_space<hbm>> -> memref<128x64xf32, #tpu.memory_space<hbm>>
          %dma_wait3A_112 = arith.constant 0 : i32
          %dma_wait3A_113 = arith.constant 0 : i32
          %dma_wait3A_114 = tpu.memref_slice %arg6[%dma_wait3A_112, %dma_wait3A_113] : memref<10240x64xf32, #tpu.memory_space<hbm>> -> memref<128x64xf32, #tpu.memory_space<hbm>>
          tpu.wait_dma2 semaphore(%arg19 : memref<!tpu.dma_semaphore, #tpu.memory_space<semaphore_mem>>) src(%dma_wait3A_114 : memref<128x64xf32, #tpu.memory_space<hbm>>) dst(%arg12 : memref<128x64xf32, #tpu.memory_space<vmem>>)
        } else {
        }
        %add3A_102 = arith.constant 3 : i32
        %add3A_103 = arith.addi %scan3A_55, %add3A_102 : i32
        %lt3A_104 = arith.constant 157 : i32
        %lt3A_105 = arith.cmpi slt, %add3A_103, %lt3A_104 : i32
        %convert_element_type3A_106 = arith.extui %lt3A_105 : i1 to i32
        %cond3A_107 = arith.constant 0 : i32
        %cond3A_108 = arith.cmpi ne, %convert_element_type3A_106, %cond3A_107 : i32
        scf.if %cond3A_108 {
          %add3A_109 = arith.constant 3 : i32
          %add3A_110 = arith.addi %scan3A_55, %add3A_109 : i32
          %convert_element_type3A_111 = arith.extui %eq3A_0 : i1 to i32
          %cond3A_112 = arith.constant 0 : i32
          %cond3A_113 = arith.cmpi ne, %convert_element_type3A_111, %cond3A_112 : i32
          scf.if %cond3A_113 {
            %dma_start3A_119 = arith.constant 0 : i32
            %dma_start3A_120 = tpu.memref_slice %arg10[%add3A_110, %dma_start3A_119] : memref<157x128xi32, #tpu.memory_space<vmem>> -> memref<1x128xi32, #tpu.memory_space<vmem>>
            %dma_start3A_121 = tpu.memref_squeeze %dma_start3A_120 : memref<1x128xi32, #tpu.memory_space<vmem>> -> memref<128xi32, #tpu.memory_space<vmem>>
            %dma_start3A_122 = arith.constant 0 : i32
            %dma_start3A_123 = arith.constant 0 : i32
            %dma_start3A_124 = tpu.memref_slice %arg2[%dma_start3A_122, %dma_start3A_123] : memref<10000x64xf32, #tpu.memory_space<hbm>> -> memref<10000x64xf32, #tpu.memory_space<hbm>>
            tpu.enqueue_indirect_dma source(%dma_start3A_124 : memref<10000x64xf32, #tpu.memory_space<hbm>>) target(%arg12 : memref<128x64xf32, #tpu.memory_space<vmem>>) offsets(%dma_start3A_121 : memref<128xi32, #tpu.memory_space<vmem>>) semaphore(%arg19 : memref<!tpu.dma_semaphore, #tpu.memory_space<semaphore_mem>>)
          } else {
          }
          %not3A_114 = arith.constant true
          %not3A_115 = arith.xori %eq3A_0, %not3A_114 : i1
          %convert_element_type3A_116 = arith.extui %not3A_115 : i1 to i32
          %cond3A_117 = arith.constant 0 : i32
          %cond3A_118 = arith.cmpi ne, %convert_element_type3A_116, %cond3A_117 : i32
          scf.if %cond3A_118 {
            %dma_start3A_119 = arith.constant 0 : i32
            %dma_start3A_120 = tpu.memref_slice %arg10[%add3A_110, %dma_start3A_119] : memref<157x128xi32, #tpu.memory_space<vmem>> -> memref<1x128xi32, #tpu.memory_space<vmem>>
            %dma_start3A_121 = tpu.memref_squeeze %dma_start3A_120 : memref<1x128xi32, #tpu.memory_space<vmem>> -> memref<128xi32, #tpu.memory_space<vmem>>
            %dma_start3A_122 = arith.constant 0 : i32
            %dma_start3A_123 = arith.constant 0 : i32
            %dma_start3A_124 = tpu.memref_slice %arg3[%dma_start3A_122, %dma_start3A_123] : memref<10000x64xf32, #tpu.memory_space<hbm>> -> memref<10000x64xf32, #tpu.memory_space<hbm>>
            tpu.enqueue_indirect_dma source(%dma_start3A_124 : memref<10000x64xf32, #tpu.memory_space<hbm>>) target(%arg12 : memref<128x64xf32, #tpu.memory_space<vmem>>) offsets(%dma_start3A_121 : memref<128xi32, #tpu.memory_space<vmem>>) semaphore(%arg19 : memref<!tpu.dma_semaphore, #tpu.memory_space<semaphore_mem>>)
          } else {
          }
        } else {
        }
      } else {
      }
      %rem3A_70 = arith.constant 4 : i32
      %rem3A_71 = arith.remsi %scan3A_55, %rem3A_70 : i32
      %eq3A_72 = arith.constant 2 : i32
      %eq3A_73 = arith.cmpi eq, %rem3A_71, %eq3A_72 : i32
      %convert_element_type3A_74 = arith.extui %eq3A_73 : i1 to i32
      %cond3A_75 = arith.constant 0 : i32
      %cond3A_76 = arith.cmpi ne, %convert_element_type3A_74, %cond3A_75 : i32
      scf.if %cond3A_76 {
        %dma_wait3A_85 = arith.constant 0 : i32
        %dma_wait3A_86 = arith.constant 0 : i32
        %dma_wait3A_87 = tpu.memref_slice %arg6[%dma_wait3A_85, %dma_wait3A_86] : memref<10240x64xf32, #tpu.memory_space<hbm>> -> memref<128x64xf32, #tpu.memory_space<hbm>>
        %dma_wait3A_88 = arith.constant 0 : i32
        %dma_wait3A_89 = arith.constant 0 : i32
        %dma_wait3A_90 = tpu.memref_slice %arg6[%dma_wait3A_88, %dma_wait3A_89] : memref<10240x64xf32, #tpu.memory_space<hbm>> -> memref<128x64xf32, #tpu.memory_space<hbm>>
        tpu.wait_dma2 semaphore(%arg21 : memref<!tpu.dma_semaphore, #tpu.memory_space<semaphore_mem>>) src(%dma_wait3A_90 : memref<128x64xf32, #tpu.memory_space<hbm>>) dst(%arg14 : memref<128x64xf32, #tpu.memory_space<vmem>>)
        %dma_start3A = arith.constant 0 : i32
        %dma_start3A_91 = tpu.memref_slice %arg11[%scan3A_55, %dma_start3A] : memref<157x128xi32, #tpu.memory_space<vmem>> -> memref<1x128xi32, #tpu.memory_space<vmem>>
        %dma_start3A_92 = tpu.memref_squeeze %dma_start3A_91 : memref<1x128xi32, #tpu.memory_space<vmem>> -> memref<128xi32, #tpu.memory_space<vmem>>
        %dma_start3A_93 = arith.constant 0 : i32
        %dma_start3A_94 = arith.constant 0 : i32
        %dma_start3A_95 = tpu.memref_slice %arg17[%dma_start3A_93, %dma_start3A_94] : memref<10240x64xf32, #tpu.memory_space<vmem_shared>> -> memref<10240x64xf32, #tpu.memory_space<vmem_shared>>
        tpu.enqueue_indirect_dma source(%arg14 : memref<128x64xf32, #tpu.memory_space<vmem>>) target(%dma_start3A_95 : memref<10240x64xf32, #tpu.memory_space<vmem_shared>>) offsets(%dma_start3A_92 : memref<128xi32, #tpu.memory_space<vmem>>) semaphore(%arg21 : memref<!tpu.dma_semaphore, #tpu.memory_space<semaphore_mem>>) {add = true}
        %ge3A = arith.constant 1 : i32
        %ge3A_96 = arith.cmpi sge, %scan3A_55, %ge3A : i32
        %add3A = arith.constant 3 : i32
        %add3A_97 = arith.addi %scan3A_55, %add3A : i32
        %lt3A = arith.constant 157 : i32
        %lt3A_98 = arith.cmpi slt, %add3A_97, %lt3A : i32
        %and3A = arith.andi %ge3A_96, %lt3A_98 : i1
        %convert_element_type3A_99 = arith.extui %and3A : i1 to i32
        %cond3A_100 = arith.constant 0 : i32
        %cond3A_101 = arith.cmpi ne, %convert_element_type3A_99, %cond3A_100 : i32
        scf.if %cond3A_101 {
          %dma_wait3A_109 = arith.constant 0 : i32
          %dma_wait3A_110 = arith.constant 0 : i32
          %dma_wait3A_111 = tpu.memref_slice %arg6[%dma_wait3A_109, %dma_wait3A_110] : memref<10240x64xf32, #tpu.memory_space<hbm>> -> memref<128x64xf32, #tpu.memory_space<hbm>>
          %dma_wait3A_112 = arith.constant 0 : i32
          %dma_wait3A_113 = arith.constant 0 : i32
          %dma_wait3A_114 = tpu.memref_slice %arg6[%dma_wait3A_112, %dma_wait3A_113] : memref<10240x64xf32, #tpu.memory_space<hbm>> -> memref<128x64xf32, #tpu.memory_space<hbm>>
          tpu.wait_dma2 semaphore(%arg20 : memref<!tpu.dma_semaphore, #tpu.memory_space<semaphore_mem>>) src(%dma_wait3A_114 : memref<128x64xf32, #tpu.memory_space<hbm>>) dst(%arg13 : memref<128x64xf32, #tpu.memory_space<vmem>>)
        } else {
        }
        %add3A_102 = arith.constant 3 : i32
        %add3A_103 = arith.addi %scan3A_55, %add3A_102 : i32
        %lt3A_104 = arith.constant 157 : i32
        %lt3A_105 = arith.cmpi slt, %add3A_103, %lt3A_104 : i32
        %convert_element_type3A_106 = arith.extui %lt3A_105 : i1 to i32
        %cond3A_107 = arith.constant 0 : i32
        %cond3A_108 = arith.cmpi ne, %convert_element_type3A_106, %cond3A_107 : i32
        scf.if %cond3A_108 {
          %add3A_109 = arith.constant 3 : i32
          %add3A_110 = arith.addi %scan3A_55, %add3A_109 : i32
          %convert_element_type3A_111 = arith.extui %eq3A_0 : i1 to i32
          %cond3A_112 = arith.constant 0 : i32
          %cond3A_113 = arith.cmpi ne, %convert_element_type3A_111, %cond3A_112 : i32
          scf.if %cond3A_113 {
            %dma_start3A_119 = arith.constant 0 : i32
            %dma_start3A_120 = tpu.memref_slice %arg10[%add3A_110, %dma_start3A_119] : memref<157x128xi32, #tpu.memory_space<vmem>> -> memref<1x128xi32, #tpu.memory_space<vmem>>
            %dma_start3A_121 = tpu.memref_squeeze %dma_start3A_120 : memref<1x128xi32, #tpu.memory_space<vmem>> -> memref<128xi32, #tpu.memory_space<vmem>>
            %dma_start3A_122 = arith.constant 0 : i32
            %dma_start3A_123 = arith.constant 0 : i32
            %dma_start3A_124 = tpu.memref_slice %arg2[%dma_start3A_122, %dma_start3A_123] : memref<10000x64xf32, #tpu.memory_space<hbm>> -> memref<10000x64xf32, #tpu.memory_space<hbm>>
            tpu.enqueue_indirect_dma source(%dma_start3A_124 : memref<10000x64xf32, #tpu.memory_space<hbm>>) target(%arg13 : memref<128x64xf32, #tpu.memory_space<vmem>>) offsets(%dma_start3A_121 : memref<128xi32, #tpu.memory_space<vmem>>) semaphore(%arg20 : memref<!tpu.dma_semaphore, #tpu.memory_space<semaphore_mem>>)
          } else {
          }
          %not3A_114 = arith.constant true
          %not3A_115 = arith.xori %eq3A_0, %not3A_114 : i1
          %convert_element_type3A_116 = arith.extui %not3A_115 : i1 to i32
          %cond3A_117 = arith.constant 0 : i32
          %cond3A_118 = arith.cmpi ne, %convert_element_type3A_116, %cond3A_117 : i32
          scf.if %cond3A_118 {
            %dma_start3A_119 = arith.constant 0 : i32
            %dma_start3A_120 = tpu.memref_slice %arg10[%add3A_110, %dma_start3A_119] : memref<157x128xi32, #tpu.memory_space<vmem>> -> memref<1x128xi32, #tpu.memory_space<vmem>>
            %dma_start3A_121 = tpu.memref_squeeze %dma_start3A_120 : memref<1x128xi32, #tpu.memory_space<vmem>> -> memref<128xi32, #tpu.memory_space<vmem>>
            %dma_start3A_122 = arith.constant 0 : i32
            %dma_start3A_123 = arith.constant 0 : i32
            %dma_start3A_124 = tpu.memref_slice %arg3[%dma_start3A_122, %dma_start3A_123] : memref<10000x64xf32, #tpu.memory_space<hbm>> -> memref<10000x64xf32, #tpu.memory_space<hbm>>
            tpu.enqueue_indirect_dma source(%dma_start3A_124 : memref<10000x64xf32, #tpu.memory_space<hbm>>) target(%arg13 : memref<128x64xf32, #tpu.memory_space<vmem>>) offsets(%dma_start3A_121 : memref<128xi32, #tpu.memory_space<vmem>>) semaphore(%arg20 : memref<!tpu.dma_semaphore, #tpu.memory_space<semaphore_mem>>)
          } else {
          }
        } else {
        }
      } else {
      }
      %rem3A_77 = arith.constant 4 : i32
      %rem3A_78 = arith.remsi %scan3A_55, %rem3A_77 : i32
      %eq3A_79 = arith.constant 3 : i32
      %eq3A_80 = arith.cmpi eq, %rem3A_78, %eq3A_79 : i32
      %convert_element_type3A_81 = arith.extui %eq3A_80 : i1 to i32
      %cond3A_82 = arith.constant 0 : i32
      %cond3A_83 = arith.cmpi ne, %convert_element_type3A_81, %cond3A_82 : i32
      scf.if %cond3A_83 {
        %dma_wait3A_85 = arith.constant 0 : i32
        %dma_wait3A_86 = arith.constant 0 : i32
        %dma_wait3A_87 = tpu.memref_slice %arg6[%dma_wait3A_85, %dma_wait3A_86] : memref<10240x64xf32, #tpu.memory_space<hbm>> -> memref<128x64xf32, #tpu.memory_space<hbm>>
        %dma_wait3A_88 = arith.constant 0 : i32
        %dma_wait3A_89 = arith.constant 0 : i32
        %dma_wait3A_90 = tpu.memref_slice %arg6[%dma_wait3A_88, %dma_wait3A_89] : memref<10240x64xf32, #tpu.memory_space<hbm>> -> memref<128x64xf32, #tpu.memory_space<hbm>>
        tpu.wait_dma2 semaphore(%arg22 : memref<!tpu.dma_semaphore, #tpu.memory_space<semaphore_mem>>) src(%dma_wait3A_90 : memref<128x64xf32, #tpu.memory_space<hbm>>) dst(%arg15 : memref<128x64xf32, #tpu.memory_space<vmem>>)
        %dma_start3A = arith.constant 0 : i32
        %dma_start3A_91 = tpu.memref_slice %arg11[%scan3A_55, %dma_start3A] : memref<157x128xi32, #tpu.memory_space<vmem>> -> memref<1x128xi32, #tpu.memory_space<vmem>>
        %dma_start3A_92 = tpu.memref_squeeze %dma_start3A_91 : memref<1x128xi32, #tpu.memory_space<vmem>> -> memref<128xi32, #tpu.memory_space<vmem>>
        %dma_start3A_93 = arith.constant 0 : i32
        %dma_start3A_94 = arith.constant 0 : i32
        %dma_start3A_95 = tpu.memref_slice %arg17[%dma_start3A_93, %dma_start3A_94] : memref<10240x64xf32, #tpu.memory_space<vmem_shared>> -> memref<10240x64xf32, #tpu.memory_space<vmem_shared>>
        tpu.enqueue_indirect_dma source(%arg15 : memref<128x64xf32, #tpu.memory_space<vmem>>) target(%dma_start3A_95 : memref<10240x64xf32, #tpu.memory_space<vmem_shared>>) offsets(%dma_start3A_92 : memref<128xi32, #tpu.memory_space<vmem>>) semaphore(%arg22 : memref<!tpu.dma_semaphore, #tpu.memory_space<semaphore_mem>>) {add = true}
        %ge3A = arith.constant 1 : i32
        %ge3A_96 = arith.cmpi sge, %scan3A_55, %ge3A : i32
        %add3A = arith.constant 3 : i32
        %add3A_97 = arith.addi %scan3A_55, %add3A : i32
        %lt3A = arith.constant 157 : i32
        %lt3A_98 = arith.cmpi slt, %add3A_97, %lt3A : i32
        %and3A = arith.andi %ge3A_96, %lt3A_98 : i1
        %convert_element_type3A_99 = arith.extui %and3A : i1 to i32
        %cond3A_100 = arith.constant 0 : i32
        %cond3A_101 = arith.cmpi ne, %convert_element_type3A_99, %cond3A_100 : i32
        scf.if %cond3A_101 {
          %dma_wait3A_109 = arith.constant 0 : i32
          %dma_wait3A_110 = arith.constant 0 : i32
          %dma_wait3A_111 = tpu.memref_slice %arg6[%dma_wait3A_109, %dma_wait3A_110] : memref<10240x64xf32, #tpu.memory_space<hbm>> -> memref<128x64xf32, #tpu.memory_space<hbm>>
          %dma_wait3A_112 = arith.constant 0 : i32
          %dma_wait3A_113 = arith.constant 0 : i32
          %dma_wait3A_114 = tpu.memref_slice %arg6[%dma_wait3A_112, %dma_wait3A_113] : memref<10240x64xf32, #tpu.memory_space<hbm>> -> memref<128x64xf32, #tpu.memory_space<hbm>>
          tpu.wait_dma2 semaphore(%arg21 : memref<!tpu.dma_semaphore, #tpu.memory_space<semaphore_mem>>) src(%dma_wait3A_114 : memref<128x64xf32, #tpu.memory_space<hbm>>) dst(%arg14 : memref<128x64xf32, #tpu.memory_space<vmem>>)
        } else {
        }
        %add3A_102 = arith.constant 3 : i32
        %add3A_103 = arith.addi %scan3A_55, %add3A_102 : i32
        %lt3A_104 = arith.constant 157 : i32
        %lt3A_105 = arith.cmpi slt, %add3A_103, %lt3A_104 : i32
        %convert_element_type3A_106 = arith.extui %lt3A_105 : i1 to i32
        %cond3A_107 = arith.constant 0 : i32
        %cond3A_108 = arith.cmpi ne, %convert_element_type3A_106, %cond3A_107 : i32
        scf.if %cond3A_108 {
          %add3A_109 = arith.constant 3 : i32
          %add3A_110 = arith.addi %scan3A_55, %add3A_109 : i32
          %convert_element_type3A_111 = arith.extui %eq3A_0 : i1 to i32
          %cond3A_112 = arith.constant 0 : i32
          %cond3A_113 = arith.cmpi ne, %convert_element_type3A_111, %cond3A_112 : i32
          scf.if %cond3A_113 {
            %dma_start3A_119 = arith.constant 0 : i32
            %dma_start3A_120 = tpu.memref_slice %arg10[%add3A_110, %dma_start3A_119] : memref<157x128xi32, #tpu.memory_space<vmem>> -> memref<1x128xi32, #tpu.memory_space<vmem>>
            %dma_start3A_121 = tpu.memref_squeeze %dma_start3A_120 : memref<1x128xi32, #tpu.memory_space<vmem>> -> memref<128xi32, #tpu.memory_space<vmem>>
            %dma_start3A_122 = arith.constant 0 : i32
            %dma_start3A_123 = arith.constant 0 : i32
            %dma_start3A_124 = tpu.memref_slice %arg2[%dma_start3A_122, %dma_start3A_123] : memref<10000x64xf32, #tpu.memory_space<hbm>> -> memref<10000x64xf32, #tpu.memory_space<hbm>>
            tpu.enqueue_indirect_dma source(%dma_start3A_124 : memref<10000x64xf32, #tpu.memory_space<hbm>>) target(%arg14 : memref<128x64xf32, #tpu.memory_space<vmem>>) offsets(%dma_start3A_121 : memref<128xi32, #tpu.memory_space<vmem>>) semaphore(%arg21 : memref<!tpu.dma_semaphore, #tpu.memory_space<semaphore_mem>>)
          } else {
          }
          %not3A_114 = arith.constant true
          %not3A_115 = arith.xori %eq3A_0, %not3A_114 : i1
          %convert_element_type3A_116 = arith.extui %not3A_115 : i1 to i32
          %cond3A_117 = arith.constant 0 : i32
          %cond3A_118 = arith.cmpi ne, %convert_element_type3A_116, %cond3A_117 : i32
          scf.if %cond3A_118 {
            %dma_start3A_119 = arith.constant 0 : i32
            %dma_start3A_120 = tpu.memref_slice %arg10[%add3A_110, %dma_start3A_119] : memref<157x128xi32, #tpu.memory_space<vmem>> -> memref<1x128xi32, #tpu.memory_space<vmem>>
            %dma_start3A_121 = tpu.memref_squeeze %dma_start3A_120 : memref<1x128xi32, #tpu.memory_space<vmem>> -> memref<128xi32, #tpu.memory_space<vmem>>
            %dma_start3A_122 = arith.constant 0 : i32
            %dma_start3A_123 = arith.constant 0 : i32
            %dma_start3A_124 = tpu.memref_slice %arg3[%dma_start3A_122, %dma_start3A_123] : memref<10000x64xf32, #tpu.memory_space<hbm>> -> memref<10000x64xf32, #tpu.memory_space<hbm>>
            tpu.enqueue_indirect_dma source(%dma_start3A_124 : memref<10000x64xf32, #tpu.memory_space<hbm>>) target(%arg14 : memref<128x64xf32, #tpu.memory_space<vmem>>) offsets(%dma_start3A_121 : memref<128xi32, #tpu.memory_space<vmem>>) semaphore(%arg21 : memref<!tpu.dma_semaphore, #tpu.memory_space<semaphore_mem>>)
          } else {
          }
        } else {
        }
      } else {
      }
      %scan3A_84 = arith.constant 0 : i32
      scf.yield %scan3A_84 : i32
    }
    %scan3A_28 = arith.constant 157 : i32
    %dma_wait3A = arith.constant 0 : i32
    %dma_wait3A_29 = arith.constant 0 : i32
    %dma_wait3A_30 = tpu.memref_slice %arg6[%dma_wait3A, %dma_wait3A_29] : memref<10240x64xf32, #tpu.memory_space<hbm>> -> memref<128x64xf32, #tpu.memory_space<hbm>>
    %dma_wait3A_31 = arith.constant 0 : i32
    %dma_wait3A_32 = arith.constant 0 : i32
    %dma_wait3A_33 = tpu.memref_slice %arg6[%dma_wait3A_31, %dma_wait3A_32] : memref<10240x64xf32, #tpu.memory_space<hbm>> -> memref<128x64xf32, #tpu.memory_space<hbm>>
    tpu.wait_dma2 semaphore(%arg20 : memref<!tpu.dma_semaphore, #tpu.memory_space<semaphore_mem>>) src(%dma_wait3A_33 : memref<128x64xf32, #tpu.memory_space<hbm>>) dst(%arg13 : memref<128x64xf32, #tpu.memory_space<vmem>>)
    %dma_wait3A_34 = arith.constant 0 : i32
    %dma_wait3A_35 = arith.constant 0 : i32
    %dma_wait3A_36 = tpu.memref_slice %arg6[%dma_wait3A_34, %dma_wait3A_35] : memref<10240x64xf32, #tpu.memory_space<hbm>> -> memref<128x64xf32, #tpu.memory_space<hbm>>
    %dma_wait3A_37 = arith.constant 0 : i32
    %dma_wait3A_38 = arith.constant 0 : i32
    %dma_wait3A_39 = tpu.memref_slice %arg6[%dma_wait3A_37, %dma_wait3A_38] : memref<10240x64xf32, #tpu.memory_space<hbm>> -> memref<128x64xf32, #tpu.memory_space<hbm>>
    tpu.wait_dma2 semaphore(%arg21 : memref<!tpu.dma_semaphore, #tpu.memory_space<semaphore_mem>>) src(%dma_wait3A_39 : memref<128x64xf32, #tpu.memory_space<hbm>>) dst(%arg14 : memref<128x64xf32, #tpu.memory_space<vmem>>)
    %dma_wait3A_40 = arith.constant 0 : i32
    %dma_wait3A_41 = arith.constant 0 : i32
    %dma_wait3A_42 = tpu.memref_slice %arg6[%dma_wait3A_40, %dma_wait3A_41] : memref<10240x64xf32, #tpu.memory_space<hbm>> -> memref<128x64xf32, #tpu.memory_space<hbm>>
    %dma_wait3A_43 = arith.constant 0 : i32
    %dma_wait3A_44 = arith.constant 0 : i32
    %dma_wait3A_45 = tpu.memref_slice %arg6[%dma_wait3A_43, %dma_wait3A_44] : memref<10240x64xf32, #tpu.memory_space<hbm>> -> memref<128x64xf32, #tpu.memory_space<hbm>>
    tpu.wait_dma2 semaphore(%arg22 : memref<!tpu.dma_semaphore, #tpu.memory_space<semaphore_mem>>) src(%dma_wait3A_45 : memref<128x64xf32, #tpu.memory_space<hbm>>) dst(%arg15 : memref<128x64xf32, #tpu.memory_space<vmem>>)
    %dma_wait3A_46 = arith.constant 0 : i32
    %dma_wait3A_47 = arith.constant 0 : i32
    %dma_wait3A_48 = tpu.memref_slice %arg6[%dma_wait3A_46, %dma_wait3A_47] : memref<10240x64xf32, #tpu.memory_space<hbm>> -> memref<128x64xf32, #tpu.memory_space<hbm>>
    %dma_wait3A_49 = arith.constant 0 : i32
    %dma_wait3A_50 = arith.constant 0 : i32
    %dma_wait3A_51 = tpu.memref_slice %arg6[%dma_wait3A_49, %dma_wait3A_50] : memref<10240x64xf32, #tpu.memory_space<hbm>> -> memref<128x64xf32, #tpu.memory_space<hbm>>
    tpu.wait_dma2 semaphore(%arg19 : memref<!tpu.dma_semaphore, #tpu.memory_space<semaphore_mem>>) src(%dma_wait3A_51 : memref<128x64xf32, #tpu.memory_space<hbm>>) dst(%arg12 : memref<128x64xf32, #tpu.memory_space<vmem>>)
    %barrier3A_52 = arith.constant 0 : index
    tpu.barrier barrier_id(%barrier3A_52)
    %mul3A_53 = arith.constant 128 : i32
    %mul3A_54 = arith.muli %arg1, %mul3A_53 : i32
    "tpu.region"() ({
      %run_scoped3A = tpu.sem_alloc : memref<!tpu.dma_semaphore, #tpu.memory_space<semaphore_mem>>
      %dma_start3A = arith.constant 0 : i32
      %dma_start3A_55 = tpu.memref_slice %arg9[%arg0, %mul3A_54, %dma_start3A] : memref<2x2048x64xf32, #tpu.memory_space<hbm>> -> memref<1x128x64xf32, #tpu.memory_space<hbm>>
      %dma_start3A_56 = tpu.memref_squeeze %dma_start3A_55 : memref<1x128x64xf32, #tpu.memory_space<hbm>> -> memref<128x64xf32, #tpu.memory_space<hbm>>
      %dma_start3A_57 = arith.constant 0 : i32
      %dma_start3A_58 = tpu.memref_slice %arg17[%mul3A_54, %dma_start3A_57] : memref<10240x64xf32, #tpu.memory_space<vmem_shared>> -> memref<128x64xf32, #tpu.memory_space<vmem_shared>>
      tpu.enqueue_dma source(%dma_start3A_58 : memref<128x64xf32, #tpu.memory_space<vmem_shared>>) target(%dma_start3A_56 : memref<128x64xf32, #tpu.memory_space<hbm>>) target_semaphore(%run_scoped3A : memref<!tpu.dma_semaphore, #tpu.memory_space<semaphore_mem>>)
      %dma_wait3A_59 = arith.constant 0 : i32
      %dma_wait3A_60 = tpu.memref_slice %arg9[%arg0, %mul3A_54, %dma_wait3A_59] : memref<2x2048x64xf32, #tpu.memory_space<hbm>> -> memref<1x128x64xf32, #tpu.memory_space<hbm>>
      %dma_wait3A_61 = tpu.memref_squeeze %dma_wait3A_60 : memref<1x128x64xf32, #tpu.memory_space<hbm>> -> memref<128x64xf32, #tpu.memory_space<hbm>>
      %dma_wait3A_62 = arith.constant 0 : i32
      %dma_wait3A_63 = tpu.memref_slice %arg17[%mul3A_54, %dma_wait3A_62] : memref<10240x64xf32, #tpu.memory_space<vmem_shared>> -> memref<128x64xf32, #tpu.memory_space<vmem_shared>>
      tpu.wait_dma2 semaphore(%run_scoped3A : memref<!tpu.dma_semaphore, #tpu.memory_space<semaphore_mem>>) src(%dma_wait3A_63 : memref<128x64xf32, #tpu.memory_space<vmem_shared>>) dst(%dma_wait3A_61 : memref<128x64xf32, #tpu.memory_space<hbm>>)
      tpu.yield
    }) : () -> ()
    return
  }
}

module attributes {stable_mosaic.version = 14 : i64} {
  func.func @body(%arg0: i32, %arg1: memref<1xf32, #tpu.memory_space<smem>>, %arg2: memref<2x1000x64xf32, #tpu.memory_space<vmem>>, %arg3: memref<2x1000x16xf32, #tpu.memory_space<vmem>>, %arg4: memref<1000x64xf32, #tpu.memory_space<vmem>>, %arg5: memref<1000x64xf32, #tpu.memory_space<vmem>>, %arg6: memref<256x128xf32, #tpu.memory_space<vmem>>, %arg7: memref<1x128xf32, #tpu.memory_space<vmem>>, %arg8: memref<1000x64xf32, #tpu.memory_space<vmem>>, %arg9: memref<1000x64xf32, #tpu.memory_space<vmem>>) attributes {dimension_semantics = [#tpu.dimension_semantics<arbitrary>], iteration_bounds = array<i64: 10>, scalar_prefetch = 0 : i64, scratch_operands = 0 : i64, tpu.core_type = #tpu.core_type<tc>, window_params = [{transform_indices = @transform_0, window_bounds = array<i64: 1>}, {transform_indices = @transform_1, window_bounds = array<i64: 2, 1000, 64>}, {transform_indices = @transform_2, window_bounds = array<i64: 2, 1000, 16>}, {transform_indices = @transform_3, window_bounds = array<i64: 1000, 64>}, {transform_indices = @transform_4, window_bounds = array<i64: 1000, 64>}, {pipeline_mode = #tpu.pipeline_mode<synchronous>, transform_indices = @transform_5, window_bounds = array<i64: 256, 128>}, {pipeline_mode = #tpu.pipeline_mode<synchronous>, transform_indices = @transform_6, window_bounds = array<i64: 1, 128>}, {transform_indices = @transform_7, window_bounds = array<i64: 1000, 64>}, {transform_indices = @transform_8, window_bounds = array<i64: 1000, 64>}]} {
    %get3A = arith.constant 0 : index
    %get3A_0 = arith.constant 0 : index
    %get3A_1 = arith.constant 0 : index
    %get3A_2 = vector.load %arg3[%get3A, %get3A_0, %get3A_1] : memref<2x1000x16xf32, #tpu.memory_space<vmem>>, vector<1x1000x1xf32>
    %get3A_3 = vector.shape_cast %get3A_2 : vector<1x1000x1xf32> to vector<1000x1xf32>
    %get3A_4 = arith.constant 1 : index
    %get3A_5 = arith.constant 0 : index
    %get3A_6 = arith.constant 0 : index
    %get3A_7 = vector.load %arg3[%get3A_4, %get3A_5, %get3A_6] : memref<2x1000x16xf32, #tpu.memory_space<vmem>>, vector<1x1000x1xf32>
    %get3A_8 = vector.shape_cast %get3A_7 : vector<1x1000x1xf32> to vector<1000x1xf32>
    %add3A = arith.addf %get3A_3, %get3A_8 : vector<1000x1xf32>
    %max3A = arith.constant 1.000000e+00 : f32
    %max3A_9 = vector.broadcast %max3A : f32 to vector<1000x1xf32>
    %max3A_10 = arith.maximumf %add3A, %max3A_9 : vector<1000x1xf32>
    %div3A = arith.constant 1.000000e+00 : f32
    %div3A_11 = vector.broadcast %div3A : f32 to vector<1000x1xf32>
    %div3A_12 = arith.divf %div3A_11, %max3A_10 : vector<1000x1xf32>
    %get3A_13 = arith.constant 0 : index
    %get3A_14 = arith.constant 0 : index
    %get3A_15 = arith.constant 0 : index
    %get3A_16 = vector.load %arg2[%get3A_13, %get3A_14, %get3A_15] : memref<2x1000x64xf32, #tpu.memory_space<vmem>>, vector<1x1000x64xf32>
    %get3A_17 = vector.shape_cast %get3A_16 : vector<1x1000x64xf32> to vector<1000x64xf32>
    %mul3A = vector.broadcast %div3A_12 : vector<1000x1xf32> to vector<1000x64xf32>
    %mul3A_18 = arith.mulf %get3A_17, %mul3A : vector<1000x64xf32>
    %get3A_19 = arith.constant 1 : index
    %get3A_20 = arith.constant 0 : index
    %get3A_21 = arith.constant 0 : index
    %get3A_22 = vector.load %arg2[%get3A_19, %get3A_20, %get3A_21] : memref<2x1000x64xf32, #tpu.memory_space<vmem>>, vector<1x1000x64xf32>
    %get3A_23 = vector.shape_cast %get3A_22 : vector<1x1000x64xf32> to vector<1000x64xf32>
    %mul3A_24 = vector.broadcast %div3A_12 : vector<1000x1xf32> to vector<1000x64xf32>
    %mul3A_25 = arith.mulf %get3A_23, %mul3A_24 : vector<1000x64xf32>
    %concatenate3A = tpu.concatenate %mul3A_18, %mul3A_25 in 1 : vector<1000x64xf32>, vector<1000x64xf32> -> vector<1000x128xf32>
    %get3A_26 = arith.constant 0 : index
    %get3A_27 = arith.constant 0 : index
    %get3A_28 = vector.load %arg4[%get3A_26, %get3A_27] : memref<1000x64xf32, #tpu.memory_space<vmem>>, vector<1000x64xf32>
    %get3A_29 = arith.constant 0 : index
    %get3A_30 = arith.constant 0 : index
    %get3A_31 = vector.load %arg5[%get3A_29, %get3A_30] : memref<1000x64xf32, #tpu.memory_space<vmem>>, vector<1000x64xf32>
    %concatenate3A_32 = tpu.concatenate %get3A_28, %get3A_31 in 1 : vector<1000x64xf32>, vector<1000x64xf32> -> vector<1000x128xf32>
    %get3A_33 = arith.constant 0 : index
    %get3A_34 = arith.constant 0 : index
    %get3A_35 = vector.load %arg6[%get3A_33, %get3A_34] : memref<256x128xf32, #tpu.memory_space<vmem>>, vector<128x128xf32>
    %dot_general3A = arith.constant dense<0.000000e+00> : vector<1000x128xf32>
    %dot_general3A_36 = tpu.matmul %concatenate3A, %get3A_35, %dot_general3A {dimension_numbers = #tpu.dot_dimension_numbers<[1], [0], [0], [1], [0, 0, 1, 1], [], []>, transpose_lhs_hint = false} : vector<1000x128xf32>, vector<128x128xf32>, vector<1000x128xf32> -> vector<1000x128xf32>
    %get3A_37 = arith.constant 128 : index
    %get3A_38 = arith.constant 0 : index
    %get3A_39 = vector.load %arg6[%get3A_37, %get3A_38] : memref<256x128xf32, #tpu.memory_space<vmem>>, vector<128x128xf32>
    %dot_general3A_40 = arith.constant dense<0.000000e+00> : vector<1000x128xf32>
    %dot_general3A_41 = tpu.matmul %concatenate3A_32, %get3A_39, %dot_general3A_40 {dimension_numbers = #tpu.dot_dimension_numbers<[1], [0], [0], [1], [0, 0, 1, 1], [], []>, transpose_lhs_hint = false} : vector<1000x128xf32>, vector<128x128xf32>, vector<1000x128xf32> -> vector<1000x128xf32>
    %add3A_42 = arith.addf %dot_general3A_36, %dot_general3A_41 : vector<1000x128xf32>
    %get3A_43 = arith.constant 0 : index
    %get3A_44 = arith.constant 0 : index
    %get3A_45 = vector.load %arg7[%get3A_43, %get3A_44] : memref<1x128xf32, #tpu.memory_space<vmem>>, vector<1x128xf32>
    %add3A_46 = vector.broadcast %get3A_45 : vector<1x128xf32> to vector<1000x128xf32>
    %add3A_47 = arith.addf %add3A_42, %add3A_46 : vector<1000x128xf32>
    %max3A_48 = arith.constant 0.000000e+00 : f32
    %max3A_49 = vector.broadcast %max3A_48 : f32 to vector<1000x128xf32>
    %max3A_50 = arith.maximumf %add3A_47, %max3A_49 : vector<1000x128xf32>
    %get3A_51 = arith.constant 0 : index
    %get3A_52 = memref.load %arg1[%get3A_51] : memref<1xf32, #tpu.memory_space<smem>>
    %add3A_53 = vector.broadcast %get3A_52 : f32 to vector<1000x128xf32>
    %add3A_54 = arith.addf %max3A_50, %add3A_53 : vector<1000x128xf32>
    %slice3A = vector.extract_strided_slice %add3A_54 {offsets = [0, 0], sizes = [1000, 64], strides = [1, 1]} : vector<1000x128xf32> to vector<1000x64xf32>
    %swap3A = arith.constant 0 : index
    %swap3A_55 = arith.constant 0 : index
    %swap3A_56 = vector.load %arg8[%swap3A, %swap3A_55] : memref<1000x64xf32, #tpu.memory_space<vmem>>, vector<1000x64xf32>
    tpu.vector_store %arg8[%swap3A, %swap3A_55], %slice3A {strides = array<i32>} : memref<1000x64xf32, #tpu.memory_space<vmem>>, vector<1000x64xf32>,
    %slice3A_57 = vector.extract_strided_slice %add3A_54 {offsets = [0, 64], sizes = [1000, 64], strides = [1, 1]} : vector<1000x128xf32> to vector<1000x64xf32>
    %swap3A_58 = arith.constant 0 : index
    %swap3A_59 = arith.constant 0 : index
    %swap3A_60 = vector.load %arg9[%swap3A_58, %swap3A_59] : memref<1000x64xf32, #tpu.memory_space<vmem>>, vector<1000x64xf32>
    tpu.vector_store %arg9[%swap3A_58, %swap3A_59], %slice3A_57 {strides = array<i32>} : memref<1000x64xf32, #tpu.memory_space<vmem>>, vector<1000x64xf32>,
    return
  }
  func.func @transform_0(%arg0: i32) -> i32 {
    %c0_i32 = arith.constant 0 : i32
    %c0_i32_0 = arith.constant 0 : i32
    return %c0_i32 : i32
  }
  func.func @transform_1(%arg0: i32) -> (i32, i32, i32) {
    %c0_i32 = arith.constant 0 : i32
    %c0_i32_0 = arith.constant 0 : i32
    %c0_i32_1 = arith.constant 0 : i32
    return %c0_i32, %arg0, %c0_i32_0 : i32, i32, i32
  }
  func.func @transform_2(%arg0: i32) -> (i32, i32, i32) {
    %c0_i32 = arith.constant 0 : i32
    %c0_i32_0 = arith.constant 0 : i32
    %c0_i32_1 = arith.constant 0 : i32
    return %c0_i32, %arg0, %c0_i32_0 : i32, i32, i32
  }
  func.func @transform_3(%arg0: i32) -> (i32, i32) {
    %c0_i32 = arith.constant 0 : i32
    %c0_i32_0 = arith.constant 0 : i32
    return %arg0, %c0_i32 : i32, i32
  }
  func.func @transform_4(%arg0: i32) -> (i32, i32) {
    %c0_i32 = arith.constant 0 : i32
    %c0_i32_0 = arith.constant 0 : i32
    return %arg0, %c0_i32 : i32, i32
  }
  func.func @transform_5(%arg0: i32) -> (i32, i32) {
    %c0_i32 = arith.constant 0 : i32
    %c0_i32_0 = arith.constant 0 : i32
    %c0_i32_1 = arith.constant 0 : i32
    return %c0_i32, %c0_i32_0 : i32, i32
  }
  func.func @transform_6(%arg0: i32) -> (i32, i32) {
    %c0_i32 = arith.constant 0 : i32
    %c0_i32_0 = arith.constant 0 : i32
    %c0_i32_1 = arith.constant 0 : i32
    return %c0_i32, %c0_i32_0 : i32, i32
  }
  func.func @transform_7(%arg0: i32) -> (i32, i32) {
    %c0_i32 = arith.constant 0 : i32
    %c0_i32_0 = arith.constant 0 : i32
    return %arg0, %c0_i32 : i32, i32
  }
  func.func @transform_8(%arg0: i32) -> (i32, i32) {
    %c0_i32 = arith.constant 0 : i32
    %c0_i32_0 = arith.constant 0 : i32
    return %arg0, %c0_i32 : i32, i32
  }
}

module attributes {stable_mosaic.version = 14 : i64} {
  func.func @body(%arg0: i32, %arg1: memref<1xf32, #tpu.memory_space<smem>>, %arg2: memref<2x1000x64xf32, #tpu.memory_space<vmem>>, %arg3: memref<2x1000x16xf32, #tpu.memory_space<vmem>>, %arg4: memref<1000x64xf32, #tpu.memory_space<vmem>>, %arg5: memref<1000x64xf32, #tpu.memory_space<vmem>>, %arg6: memref<256x128xf32, #tpu.memory_space<vmem>>, %arg7: memref<1x128xf32, #tpu.memory_space<vmem>>, %arg8: memref<1000x128xf32, #tpu.memory_space<vmem>>) attributes {dimension_semantics = [#tpu.dimension_semantics<arbitrary>], iteration_bounds = array<i64: 2>, scalar_prefetch = 0 : i64, scratch_operands = 0 : i64, tpu.core_type = #tpu.core_type<tc>, window_params = [{transform_indices = @transform_0, window_bounds = array<i64: 1>}, {transform_indices = @transform_1, window_bounds = array<i64: 2, 1000, 64>}, {transform_indices = @transform_2, window_bounds = array<i64: 2, 1000, 16>}, {transform_indices = @transform_3, window_bounds = array<i64: 1000, 64>}, {transform_indices = @transform_4, window_bounds = array<i64: 1000, 64>}, {pipeline_mode = #tpu.pipeline_mode<synchronous>, transform_indices = @transform_5, window_bounds = array<i64: 256, 128>}, {pipeline_mode = #tpu.pipeline_mode<synchronous>, transform_indices = @transform_6, window_bounds = array<i64: 1, 128>}, {transform_indices = @transform_7, window_bounds = array<i64: 1000, 128>}]} {
    %get3A = arith.constant 0 : index
    %get3A_0 = arith.constant 0 : index
    %get3A_1 = arith.constant 0 : index
    %get3A_2 = vector.load %arg3[%get3A, %get3A_0, %get3A_1] : memref<2x1000x16xf32, #tpu.memory_space<vmem>>, vector<1x1000x1xf32>
    %get3A_3 = vector.shape_cast %get3A_2 : vector<1x1000x1xf32> to vector<1000x1xf32>
    %get3A_4 = arith.constant 1 : index
    %get3A_5 = arith.constant 0 : index
    %get3A_6 = arith.constant 0 : index
    %get3A_7 = vector.load %arg3[%get3A_4, %get3A_5, %get3A_6] : memref<2x1000x16xf32, #tpu.memory_space<vmem>>, vector<1x1000x1xf32>
    %get3A_8 = vector.shape_cast %get3A_7 : vector<1x1000x1xf32> to vector<1000x1xf32>
    %add3A = arith.addf %get3A_3, %get3A_8 : vector<1000x1xf32>
    %max3A = arith.constant 1.000000e+00 : f32
    %max3A_9 = vector.broadcast %max3A : f32 to vector<1000x1xf32>
    %max3A_10 = arith.maximumf %add3A, %max3A_9 : vector<1000x1xf32>
    %div3A = arith.constant 1.000000e+00 : f32
    %div3A_11 = vector.broadcast %div3A : f32 to vector<1000x1xf32>
    %div3A_12 = arith.divf %div3A_11, %max3A_10 : vector<1000x1xf32>
    %get3A_13 = arith.constant 0 : index
    %get3A_14 = arith.constant 0 : index
    %get3A_15 = arith.constant 0 : index
    %get3A_16 = vector.load %arg2[%get3A_13, %get3A_14, %get3A_15] : memref<2x1000x64xf32, #tpu.memory_space<vmem>>, vector<1x1000x64xf32>
    %get3A_17 = vector.shape_cast %get3A_16 : vector<1x1000x64xf32> to vector<1000x64xf32>
    %mul3A = vector.broadcast %div3A_12 : vector<1000x1xf32> to vector<1000x64xf32>
    %mul3A_18 = arith.mulf %get3A_17, %mul3A : vector<1000x64xf32>
    %get3A_19 = arith.constant 1 : index
    %get3A_20 = arith.constant 0 : index
    %get3A_21 = arith.constant 0 : index
    %get3A_22 = vector.load %arg2[%get3A_19, %get3A_20, %get3A_21] : memref<2x1000x64xf32, #tpu.memory_space<vmem>>, vector<1x1000x64xf32>
    %get3A_23 = vector.shape_cast %get3A_22 : vector<1x1000x64xf32> to vector<1000x64xf32>
    %mul3A_24 = vector.broadcast %div3A_12 : vector<1000x1xf32> to vector<1000x64xf32>
    %mul3A_25 = arith.mulf %get3A_23, %mul3A_24 : vector<1000x64xf32>
    %concatenate3A = tpu.concatenate %mul3A_18, %mul3A_25 in 1 : vector<1000x64xf32>, vector<1000x64xf32> -> vector<1000x128xf32>
    %get3A_26 = arith.constant 0 : index
    %get3A_27 = arith.constant 0 : index
    %get3A_28 = vector.load %arg4[%get3A_26, %get3A_27] : memref<1000x64xf32, #tpu.memory_space<vmem>>, vector<1000x64xf32>
    %get3A_29 = arith.constant 0 : index
    %get3A_30 = arith.constant 0 : index
    %get3A_31 = vector.load %arg5[%get3A_29, %get3A_30] : memref<1000x64xf32, #tpu.memory_space<vmem>>, vector<1000x64xf32>
    %concatenate3A_32 = tpu.concatenate %get3A_28, %get3A_31 in 1 : vector<1000x64xf32>, vector<1000x64xf32> -> vector<1000x128xf32>
    %get3A_33 = arith.constant 0 : index
    %get3A_34 = arith.constant 0 : index
    %get3A_35 = vector.load %arg6[%get3A_33, %get3A_34] : memref<256x128xf32, #tpu.memory_space<vmem>>, vector<128x128xf32>
    %dot_general3A = arith.constant dense<0.000000e+00> : vector<1000x128xf32>
    %dot_general3A_36 = tpu.matmul %concatenate3A, %get3A_35, %dot_general3A {dimension_numbers = #tpu.dot_dimension_numbers<[1], [0], [0], [1], [0, 0, 1, 1], [], []>, transpose_lhs_hint = false} : vector<1000x128xf32>, vector<128x128xf32>, vector<1000x128xf32> -> vector<1000x128xf32>
    %get3A_37 = arith.constant 128 : index
    %get3A_38 = arith.constant 0 : index
    %get3A_39 = vector.load %arg6[%get3A_37, %get3A_38] : memref<256x128xf32, #tpu.memory_space<vmem>>, vector<128x128xf32>
    %dot_general3A_40 = arith.constant dense<0.000000e+00> : vector<1000x128xf32>
    %dot_general3A_41 = tpu.matmul %concatenate3A_32, %get3A_39, %dot_general3A_40 {dimension_numbers = #tpu.dot_dimension_numbers<[1], [0], [0], [1], [0, 0, 1, 1], [], []>, transpose_lhs_hint = false} : vector<1000x128xf32>, vector<128x128xf32>, vector<1000x128xf32> -> vector<1000x128xf32>
    %add3A_42 = arith.addf %dot_general3A_36, %dot_general3A_41 : vector<1000x128xf32>
    %get3A_43 = arith.constant 0 : index
    %get3A_44 = arith.constant 0 : index
    %get3A_45 = vector.load %arg7[%get3A_43, %get3A_44] : memref<1x128xf32, #tpu.memory_space<vmem>>, vector<1x128xf32>
    %add3A_46 = vector.broadcast %get3A_45 : vector<1x128xf32> to vector<1000x128xf32>
    %add3A_47 = arith.addf %add3A_42, %add3A_46 : vector<1000x128xf32>
    %max3A_48 = arith.constant 0.000000e+00 : f32
    %max3A_49 = vector.broadcast %max3A_48 : f32 to vector<1000x128xf32>
    %max3A_50 = arith.maximumf %add3A_47, %max3A_49 : vector<1000x128xf32>
    %get3A_51 = arith.constant 0 : index
    %get3A_52 = memref.load %arg1[%get3A_51] : memref<1xf32, #tpu.memory_space<smem>>
    %add3A_53 = vector.broadcast %get3A_52 : f32 to vector<1000x128xf32>
    %add3A_54 = arith.addf %max3A_50, %add3A_53 : vector<1000x128xf32>
    %swap3A = arith.constant 0 : index
    %swap3A_55 = arith.constant 0 : index
    %swap3A_56 = vector.load %arg8[%swap3A, %swap3A_55] : memref<1000x128xf32, #tpu.memory_space<vmem>>, vector<1000x128xf32>
    tpu.vector_store %arg8[%swap3A, %swap3A_55], %add3A_54 {strides = array<i32>} : memref<1000x128xf32, #tpu.memory_space<vmem>>, vector<1000x128xf32>,
    return
  }
  func.func @transform_0(%arg0: i32) -> i32 {
    %c0_i32 = arith.constant 0 : i32
    %c0_i32_0 = arith.constant 0 : i32
    return %c0_i32 : i32
  }
  func.func @transform_1(%arg0: i32) -> (i32, i32, i32) {
    %c0_i32 = arith.constant 0 : i32
    %c0_i32_0 = arith.constant 0 : i32
    %c0_i32_1 = arith.constant 0 : i32
    return %c0_i32, %arg0, %c0_i32_0 : i32, i32, i32
  }
  func.func @transform_2(%arg0: i32) -> (i32, i32, i32) {
    %c0_i32 = arith.constant 0 : i32
    %c0_i32_0 = arith.constant 0 : i32
    %c0_i32_1 = arith.constant 0 : i32
    return %c0_i32, %arg0, %c0_i32_0 : i32, i32, i32
  }
  func.func @transform_3(%arg0: i32) -> (i32, i32) {
    %c0_i32 = arith.constant 0 : i32
    %c0_i32_0 = arith.constant 0 : i32
    return %arg0, %c0_i32 : i32, i32
  }
  func.func @transform_4(%arg0: i32) -> (i32, i32) {
    %c0_i32 = arith.constant 0 : i32
    %c0_i32_0 = arith.constant 0 : i32
    return %arg0, %c0_i32 : i32, i32
  }
  func.func @transform_5(%arg0: i32) -> (i32, i32) {
    %c0_i32 = arith.constant 0 : i32
    %c0_i32_0 = arith.constant 0 : i32
    %c0_i32_1 = arith.constant 0 : i32
    return %c0_i32, %c0_i32_0 : i32, i32
  }
  func.func @transform_6(%arg0: i32) -> (i32, i32) {
    %c0_i32 = arith.constant 0 : i32
    %c0_i32_0 = arith.constant 0 : i32
    %c0_i32_1 = arith.constant 0 : i32
    return %c0_i32, %c0_i32_0 : i32, i32
  }
  func.func @transform_7(%arg0: i32) -> (i32, i32) {
    %c0_i32 = arith.constant 0 : i32
    %c0_i32_0 = arith.constant 0 : i32
    return %arg0, %c0_i32 : i32, i32
  }
}

</mosaic_0001>

<sc_bundles>
// kernel: kernel.6.cloned.1.call-start
scs
__scs_entry_jumppad:
0x0: {  	(pc) =	sbr.rel $0x88, $3  }
0x1: {  	(tag) =	ssettag $0x0;
	lr =	simm.s32 $0x1  }
0x2: {  	[smem:$0x3F9A] =	sst lr;
	_ =	strace $0xD0000000  }
0x3: {  	_ = 	snop  }
0x4: {  	_ = 	snop  }
0x5: {  	_ = 	snop  }
0x6: {  	_ = 	snop  }
0x7: {  	_ = 	snop  }
__scs_overlays_trampoline_lowered:
0x8: {  	[smem:$0x3FA9] =	sst s0  }
0x9: {  	[smem:$0x3FAA] =	sst s1  }
0xa: {  	[smem:$0x3FAB] =	sst s2  }
0xb: {  	[smem:$0x3FAC] =	sst s3  }
0xc: {  	[smem:$0x3FAD] =	sst s4  }
0xd: {  	[smem:$0x3FAE] =	sst s5  }
0xe: {  	[smem:$0x3FAF] =	sst s6  }
0xf: {  	[smem:$0x3FB0] =	sst s7  }
0x10: {  	[smem:$0x3FB1] =	sst s8  }
0x11: {  	[smem:$0x3FB2] =	sst s9;
	s0 =	simm.s32 @!p0 $0x0  }
0x12: {  	s1 =	sld [smem:$0x3F98];
	s0 =	simm.s32 @p0 $0x1  }
0x13: {  	[smem:$0x3FB3] =	sst s0;
	s0 =	simm.s32 @!p1 $0x0  }
0x14: {  	s2 =	sld [smem:$0x3F97];
	s0 =	simm.s32 @p1 $0x1  }
0x15: {  	[smem:$0x3FB4] =	sst s0;
	s0 =	simm.s32 @!p2 $0x0  }
0x16: {  	s3 =	sld [smem:$0x3FDB];
	s0 =	simm.s32 @p2 $0x1  }
0x17: {  	s4 =	simm.s32 $0x1BF5;
	[smem:$0x3FB6] =	sst s0  }
0x18: {  	s0 =	sld [smem:$0x3F99];
	_ =	swait.ge [sflag:s4], $0x0  }
0x19: {  	s7 =	sld [smem:$0x3F9A]  }
0x1a: {  	s8 =	sadd.s32 $0xFFFFE003, lr  }
0x1b: {  	s9 =	sadd.s32 $0xFFFFFEF7, lr;
	s5 =	simm.s32 $0xFFFFFFFF;
	p2 =	slt.u32 s8, $0xFFFFF086  }
0x1c: {  	p1 =	slt.u32 s9, $0xF7A;
	s5 =	simm.s32 @!p2 $0x0  }
0x1d: {  	s5 =	simm.s32 @p1 $0x1;
	p0 =	seq.s32 s7, s2  }
0x1e: {  	s7 =	smul.u32 @!p0 $0xF7A, s2;
	p2 =	seq.s32 @!p0 s5, $0x0  }
0x1f: {  	s9 =	smul.u32 $0xF7A, s1;
	s8 =	simm.s32 @!p0 $0x1BF5;
	p2 =	por !p2, p0  }
0x20: {  	[sflag:s8] =	ssyncset.s32 @!p0 $0xFFFFF086;
	s6 =	sadd.s32 @!p0 s3, s7;
	s7 =	simm.s32 @!p0 $0x108  }
0x21: {  	s3 =	sadd.s32 s3, s9;
	s6 =	sadd.s32 @!p0 $0x88, s6;
	s7 =	simm.s32 @p2 $0x1082  }
0x22: {  	[simem:s7], [sflag:s8] =	dma.local @!p0 [hbm:s6], $0xF7A  }
0x23: {  	s9 =	sor.u32 $0xD0000000, s2;
	s6 =	simm.s32 $0x108;
	_ =	swait.ge @!p0 [sflag:s8], $0x0  }
0x24: {  	s3 =	sadd.s32 $0x88, s3;
	s6 =	simm.s32 @!p1 $0x1082;
	[sflag:s4] =	ssyncset.s32 $0xFFFFF086  }
0x25: {  	[simem:s6], [sflag:s4] =	dma.local [hbm:s3], $0xF7A  }
0x26: {  	[smem:$0x3F9A] =	sst s1;
	(tag) =	ssettag s2;
	_ =	strace s9  }
0x27: {  	s1 =	sld [smem:$0x3FAA]  }
0x28: {  	s2 =	sld [smem:$0x3FAB]  }
0x29: {  	s4 =	sld [smem:$0x3FAD]  }
0x2a: {  	p0 =	seq.s32 s5, $0x0;
	s5 =	sld [smem:$0x3FAE]  }
0x2b: {  	s6 =	sld [smem:$0x3FAF]  }
0x2c: {  	s7 =	sld [smem:$0x3FB0]  }
0x2d: {  	s3 =	simm.s32 $0x108;
	s8 =	sld [smem:$0x3FB1]  }
0x2e: {  	s3 =	simm.s32 @!p0 $0x1082;
	s9 =	sld [smem:$0x3FB2]  }
0x2f: {  	lr =	sadd.s32 s0, s3;
	s0 =	sld [smem:$0x3FA9]  }
0x30: {  	s3 =	sld [smem:$0x3FAC]  }
0x31: {  	[smem:$0x3FB5] =	sst s10  }
0x32: {  	s10 =	sld [smem:$0x3FB3];
	_ =	sdelay $0x3  }
0x33: {  	p0 =	seq.s32 s10, $0x1;
	s10 =	sld [smem:$0x3FB5];
	_ =	sdelay $0x3  }
0x34: {  	[smem:$0x3FB5] =	sst s10  }
0x35: {  	s10 =	sld [smem:$0x3FB4];
	_ =	sdelay $0x3  }
0x36: {  	p1 =	seq.s32 s10, $0x1;
	s10 =	sld [smem:$0x3FB5];
	_ =	sdelay $0x3  }
0x37: {  	[smem:$0x3FB5] =	sst s10  }
0x38: {  	s10 =	sld [smem:$0x3FB6]  }
0x39: {  	_ = 	snop;
	(pc) =	sbr.ind lr, $3  }
0x3a: {  	_ = 	snop  }
0x3b: {  	_ = 	snop  }
0x3c: {  	p2 =	seq.s32 s10, $0x1;
	s10 =	sld [smem:$0x3FB5]  }
0x3d: {  	_ =	shalt  }
0x3e: {  	_ =	shalt  }
0x3f: {  	_ =	shalt  }
0x40: {  	_ =	shalt  }
0x41: {  	_ =	shalt  }
0x42: {  	_ =	shalt  }
0x43: {  	_ =	shalt  }
0x44: {  	_ =	shalt  }
0x45: {  	_ =	shalt  }
0x46: {  	_ =	shalt  }
0x47: {  	_ =	shalt  }
0x48: {  	_ =	shalt  }
0x49: {  	_ =	shalt  }
0x4a: {  	_ =	shalt  }
0x4b: {  	_ =	shalt  }
0x4c: {  	_ =	shalt  }
0x4d: {  	_ =	shalt  }
0x4e: {  	_ =	shalt  }
0x4f: {  	_ =	shalt  }
0x50: {  	_ =	shalt  }
0x51: {  	_ =	shalt  }
0x52: {  	_ =	shalt  }
0x53: {  	_ =	shalt  }
0x54: {  	_ =	shalt  }
0x55: {  	_ =	shalt  }
0x56: {  	_ =	shalt  }
0x57: {  	_ =	shalt  }
0x58: {  	_ =	shalt  }
0x59: {  	_ =	shalt  }
0x5a: {  	_ =	shalt  }
0x5b: {  	_ =	shalt  }
0x5c: {  	_ =	shalt  }
0x5d: {  	_ =	shalt  }
0x5e: {  	_ =	shalt  }
0x5f: {  	_ =	shalt  }
0x60: {  	_ =	shalt  }
0x61: {  	_ =	shalt  }
0x62: {  	_ =	shalt  }
0x63: {  	_ =	shalt  }
0x64: {  	_ =	shalt  }
0x65: {  	_ =	shalt  }
0x66: {  	_ =	shalt  }
0x67: {  	_ =	shalt  }
0x68: {  	_ =	shalt  }
0x69: {  	_ =	shalt  }
0x6a: {  	_ =	shalt  }
0x6b: {  	_ =	shalt  }
0x6c: {  	_ =	shalt  }
0x6d: {  	_ =	shalt  }
0x6e: {  	_ =	shalt  }
0x6f: {  	_ =	shalt  }
0x70: {  	_ =	shalt  }
0x71: {  	_ =	shalt  }
0x72: {  	_ =	shalt  }
0x73: {  	_ =	shalt  }
0x74: {  	_ =	shalt  }
0x75: {  	_ =	shalt  }
0x76: {  	_ =	shalt  }
0x77: {  	_ =	shalt  }
0x78: {  	_ =	shalt  }
0x79: {  	_ =	shalt  }
0x7a: {  	_ =	shalt  }
0x7b: {  	_ =	shalt  }
0x7c: {  	_ =	shalt  }
0x7d: {  	_ =	shalt  }
0x7e: {  	_ =	shalt  }
0x7f: {  	_ =	shalt  }
0x80: {  	_ =	shalt  }
0x81: {  	_ =	shalt  }
0x82: {  	_ =	shalt  }
0x83: {  	_ =	shalt  }
0x84: {  	_ =	shalt  }
0x85: {  	_ =	shalt  }
0x86: {  	_ =	shalt  }
0x87: {  	_ =	shalt  }
.Lfunc_end0:
.L_simem_size_0:
called_computation_lowered:
.L_overlay_start_0:
0x88: {  	s2 =	sld [smem:$0x3FD9]  }
0x89: {  	s3 =	sld [smem:$0x3FFE];
	_ =	sdelay $0x1  }
0x8a: {  	s1 =	srdreg.scid  }
0x8b: {  	s0 =	sand.u32 $0x1, s1  }
0x8c: {  	s17 =	sshll.u32 s0, $0xA;
	s2 =	sadd.s32 s3, s2  }
0x8d: {  	s2 =	sadd.s32 s2, s17  }
0x8e: {  	[smem:$0x3FC1] =	sst s2  }
0x8f: {  	_ = 	snop  }
0x90: {  	s2 =	sld [smem:$0x3FD0];
	(tm) =	ssettm $0x1  }
0x91: {  	s18 =	sld [smem:$0x3FFB];
	_ =	sdelay $0x3  }
0x92: {  	_ =	strace s18  }
0x93: {  	s3 =	sld [smem:$0x3FFC];
	_ =	sdelay $0x3  }
0x94: {  	_ =	strace s3  }
0x95: {  	s3 =	sld [smem:$0x3FFD];
	_ =	sdelay $0x3  }
0x96: {  	_ =	strace s3  }
0x97: {  	_ =	strace $0x8FFFFFFF  }
0x98: {  	s19 =	sld [smem:$0x3FDB];
	_ =	sdelay $0x1  }
0x99: {  	s4 =	simm.s32 $_scs_section_size  }
0x9a: {  	s5 =	simm.s32 $_size__tile_overlayer_lowered;
	s6 =	simm.s32 $_tile_overlayer_lowered  }
0x9b: {  	s22 =	simm.s32 $0x1BFF;
	s21 =	sshll.u32 s6, $0x1;
	s3 =	sadd.s32 s4, s19  }
0x9c: {  	s7 =	simm.s32 $0x0;
	s20 =	sshll.u32 s5, $0x1;
	s5 =	sadd.s32 s21, s3  }
0x9d: {  	[timem:s7], [sflag:s22] =	dma.local [hbm:s5], s20  }
0x9e: {  	_ =	swait.ge [sflag:s22], s20  }
0x9f: {  	s4 =	ssub.s32 $0x0, s20;
	[sflag:s22] =	ssyncset.done $0x0  }
0xa0: {  	[sflag:s22] =	ssyncadd.s32 s4;
	_ =	sdelay $0x1  }
0xa1: {  	s23 =	simm.s32 $0x1B8B  }
0xa2: {  	_ =	swait.ge [sflag:s23], $0x1  }
0xa3: {  	[sflag:s23] =	ssyncset.done $0x0  }
0xa4: {  	s25 =	simm.s32 $0x1B8E;
	s24 =	sld [smem:$0x3FFE];
	[sflag:s23] =	ssyncadd.s32 $0xFFFFFFFF  }
0xa5: {  	s26 =	simm.s32 $execute0_lowered;
	[smem:$0x3FD2] =	sst s25  }
0xa6: {  	s5 =	sshll.u32 s26, $0x1;
	_ =	strace $0x80000046;
	[dreg:$0x1] =	wrdreg $0xFFFFFFFF  }
0xa7: {  	s28 =	simm.s32 $_size_execute0_lowered;
	s3 =	sadd.s32 s3, s5;
	[dreg:$0x0] =	wrdreg $0x0  }
0xa8: {  	s5 =	sshll.u32 s28, $0x1;
	[dreg:$0x2] =	wrdreg s3  }
0xa9: {  	[dreg:$0x3] =	wrdreg s5  }
0xaa: {  	[dreg:$0x4] =	wrdreg $0xC0  }
0xab: {  	_ =	task [dreg:s7], $0x5FFFF  }
0xac: {  	[dreg:$0x1] =	wrdreg $0xFFFFFFFF  }
0xad: {  	[dreg:$0x0] =	wrdreg $0x60  }
0xae: {  	[dreg:$0x2] =	wrdreg s24  }
0xaf: {  	[dreg:$0x3] =	wrdreg s2  }
0xb0: {  	[dreg:$0x4] =	wrdreg $0x125000  }
0xb1: {  	[dreg:$0x5] =	wrdreg $0x1C5000  }
0xb2: {  	[dreg:$0x6] =	wrdreg $0x9  }
0xb3: {  	_ =	task.clear_ibuf [dreg:s7], $0x7FFFF;
	_ =	strace $0x90000046  }
0xb4: {  	s29 =	simm.s32 $0x9;
	_ =	strace $0x80000048  }
0xb5: {  	_ =	swait.ge [sflag:s29], $0x1  }
0xb6: {  	[sflag:s29] =	ssyncadd.s32 $0xFFFFFFFF  }
0xb7: {  	_ =	strace $0x90000048  }
0xb8: {  	_ =	sfence  }
0xb9: {  	s30 =	sld [smem:$0x0];
	_ =	sdelay $0x2  }
0xba: {  	s31 =	sshll.u32 s1, $0xD;
	s1 =	sshrl.u32 s1, $0x2  }
0xbb: {  	s3 =	sand.u32 $0x4000, s31;
	s1 =	sadd.s32 s1, s30  }
0xbc: {  	s0 =	sor.u32 s3, s0;
	s1 =	sshll.u32 s1, $0x11  }
0xbd: {  	s0 =	sor.u32 s1, s0  }
0xbe: {  	s0 =	sadd.s32 $0x8F2B, s0  }
0xbf: {  	[sflag:s0] =	ssyncadd.remote.s32 $0x1  }
0xc0: {  	_ =	sfence.sel $0xFFFF  }
0xc1: {  	[dreg:$0x0] =	wrdreg $0xFFFFFFFF;
	(pc) =	sbr.abs _section_cstart, $3  }
0xc2: {  	[dreg:$0x1] =	wrdreg $0xFFFFFFFF  }
0xc3: {  	_ =	task.clear_ibuf [dreg:s7], $0x2FFFF;
	_ =	strace $0x9FFFFFFF  }
0xc4: {  	(tm) =	ssettm $0x7FFFFFFF  }
0xc5: {  	_ =	shalt  }
tec
execute0_lowered:
.L_overlay_start_1:
0x0: {  	(tag) =	ssettag $0x1  }
0x1: {  	s0 =	rddreg [dreg:$0x0]  }
0x2: {  	s1 =	rddreg [dreg:$0x1]  }
0x3: {  	s2 =	rddreg [dreg:$0x2]  }
0x4: {  	s3 =	rddreg [dreg:$0x3];
	s17 =	stileid.u32  }
0x5: {  	s4 =	simm.s32 $0x0;
	s5 =	srdreg.scid;
	s19 =	simm.s32 $0x6  }
0x6: {  	s28 =	simm.s32 $0x1;
	s29 =	simm.s32 $0x4;
	s30 =	simm.s32 $0x2  }
0x7: {  	s31 =	simm.s32 $0x3;
	s8 =	smul.u32 $0x9D0, s17;
	[smem:$0x7FF] =	sst s4  }
0x8: {  	s9 =	smul.u32 $0xA000, s17;
	s5 =	sand.u32 $0x1, s5;
	s6 =	sadd.s32 $0x15800, s0  }
0x9: {  	s7 =	sadd.s32 $0x1E00, s0;
	s11 =	smul.u32 $0x2800, s17;
	s14 =	sadd.s32 $0x50E00, s0  }
0xa: {  	s24 =	sshll.u32 s17, $0x6;
	_ =	strace $0x80000047;
	s10 =	smul.u32 $0xA0000, s5  }
0xb: {  	s13 =	smul.u32 $0x28000, s5;
	[dreg:$0x5] =	wrdreg s14;
	s20 =	ssub.s32 $0x2, s5  }
0xc: {  	p0 =	seq.s32 s5, $0x0;
	s17 =	smov.u32 s7;
	s8 =	sadd.s32 s8, s0  }
0xd: {  	s12 =	sshrl.u32 s9, $0x3;
	s22 =	sshrl.u32 s20, $0x1;
	s25 =	sadd.s32 s11, s3  }
0xe: {  	s17 =	smov.u32 @p0 s6;
	p0 =	sne.s32 s5, $0x0;
	s12 =	sadd.s32 s12, s0  }
0xf: {  	s10 =	sadd.s32 s9, s10;
	s13 =	sadd.s32 s11, s13;
	s16 =	ssub.s32 s20, s22  }
0x10: {  	s9 =	sadd.s32 s9, s2;
	s11 =	sshrl.u32 s11, $0x3;
	s26 =	sadd.s32 $0x33000, s8  }
0x11: {  	s20 =	sshrl.u32 s25, $0x3;
	s22 =	simm.s32 $0x80;
	s10 =	sshrl.u32 s10, $0x3  }
0x12: {  	s21 =	sshrl.u32 s13, $0x3;
	s23 =	sadd.s32 $0x3CE00, s12;
	s1 =	sadd.s32 s1, s11  }
0x13: {  	[dreg:$0x8] =	wrdreg s26;
	s13 =	sadd.s32 $0x29200, s8;
	s16 =	smax.u32 s16, $0x1  }
.Ltmp0:
0x14: {  	s18 =	sshrl.u32 s9, $0x3;
	s26 =	simm.s32 $0xDD00;
	(pc) =	sbr.rel .LBB2_1-.Ltmp0, $4  }
0x15: {  	s15 =	sadd.s32 s10, s0;
	s0 =	sadd.s32 s21, s0;
	[dreg:$0x6] =	wrdreg s23  }
0x16: {  	s10 =	sor.u32 $0x1C06, s24;
	[dreg:$0x7] =	wrdreg s1;
	s23 =	simm.s32 $0x9D00  }
0x17: {  	s24 =	simm.s32 $0xBD00;
	s1 =	simm.s32 $0xFD00;
	s21 =	simm.s32 $0x0  }
0x18: {  	s14 =	sadd.s32 $0x5B000, s15;
	s15 =	sadd.s32 $0x51000, s0;
	s0 =	simm.s32 $0x5  }
.LBB2_22:
0x19: {  	_ =	swait.ge [sflag:s30], $0x2000  }
0x1a: {  	[sflag:s30] =	ssyncset.done $0x0  }
0x1b: {  	[sflag:s30] =	ssyncadd.s32 $0xFFFFE000  }
0x1c: {  	_ =	swait.ge [sflag:s31], $0x2000  }
0x1d: {  	[sflag:s31] =	ssyncset.done $0x0  }
0x1e: {  	[sflag:s31] =	ssyncadd.s32 $0xFFFFE000  }
0x1f: {  	_ =	swait.ge [sflag:s29], $0x2000  }
0x20: {  	[sflag:s29] =	ssyncset.done $0x0  }
0x21: {  	[sflag:s29] =	ssyncadd.s32 $0xFFFFE000  }
0x22: {  	_ =	swait.ge [sflag:s28], $0x2000  }
0x23: {  	[sflag:s28] =	ssyncset.done $0x0  }
0x24: {  	[sflag:s28] =	ssyncadd.s32 $0xFFFFE000  }
0x25: {  	_ =	swait.ge [sflag:s0], $0x800  }
0x26: {  	[sflag:s0] =	ssyncset.done $0x0  }
0x27: {  	[sflag:s0] =	ssyncadd.s32 $0xFFFFF800  }
0x28: {  	[bflag:$0x0] =	sbarrier.arrive $0xFFFF  }
0x29: {  	[hbm:s14], [sflag:s10] =	dma.local [spmem:s18], $0x1400  }
0x2a: {  	s21 =	sadd.s32 $0x1, s21;
	_ =	swait.ge [sflag:s19], $0x1400  }
0x2b: {  	p1 =	sne.s32 s21, s16;
	[sflag:s19] =	ssyncset.done $0x0  }
.Ltmp1:
0x2c: {  	[sflag:s19] =	ssyncadd.s32 $0xFFFFEC00;
	(pc) =	sbr.rel @!p1 .LBB2_23-.Ltmp1, $4  }
0x2d: {  	[hbm:s15], [sflag:s10] =	dma.local [spmem:s20], $0x500  }
0x2e: {  	_ =	swait.ge [sflag:s19], $0x500  }
0x2f: {  	[sflag:s19] =	ssyncset.done $0x0  }
0x30: {  	[sflag:s19] =	ssyncadd.s32 $0xFFFFFB00  }
.LBB2_1:
0x31: {  	s8 =	rddreg [dreg:$0x6]  }
0x32: {  	[spmem:s18], [sflag:s10] =	dma.local [hbm:s8], $0x1400  }
0x33: {  	_ =	swait.ge [sflag:s19], $0x1400  }
0x34: {  	[sflag:s19] =	ssyncset.done $0x0  }
0x35: {  	s12 =	rddreg [dreg:$0x7];
	[sflag:s19] =	ssyncadd.s32 $0xFFFFEC00  }
0x36: {  	[spmem:s20], [sflag:s10] =	dma.local [hbm:s12], $0x500  }
0x37: {  	_ =	swait.ge [sflag:s19], $0x500  }
0x38: {  	[sflag:s19] =	ssyncset.done $0x0  }
0x39: {  	s9 =	simm.s32 $0x11D00;
	s25 =	rddreg [dreg:$0x5];
	[sflag:s19] =	ssyncadd.s32 $0xFFFFFB00  }
0x3a: {  	[tilespmem:s9], [sflag:$0x6] =	stream.linear.gather [hbm4b:s25+s4], $0x800, $0x38;
	[tilespmem:$0x1ED00] =	vst v63  }
0x3b: {  	_ =	swait.ge [sflag:s19], $0x800  }
0x3c: {  	[sflag:s19] =	ssyncset.done $0x0  }
0x3d: {  	s11 =	rddreg [dreg:$0x8];
	[sflag:s19] =	ssyncadd.s32 $0xFFFFF800  }
0x3e: {  	[tilespmem:s4], [sflag:$0x6] =	stream.linear.gather [hbm4b:s11+s4], $0x4E80, $0x38;
	[tilespmem:$0x1ED00] =	vst v63  }
0x3f: {  	_ =	swait.ge [sflag:s19], $0x4E80  }
0x40: {  	[sflag:s19] =	ssyncset.done $0x0  }
0x41: {  	s25 =	simm.s32 $0x4E80;
	[sflag:s19] =	ssyncadd.s32 $0xFFFFB180  }
0x42: {  	[tilespmem:s25], [sflag:$0x6] =	stream.linear.gather [hbm4b:s13+s4], $0x4E80, $0x38;
	[tilespmem:$0x1ED00] =	vst v63  }
0x43: {  	_ =	swait.ge [sflag:s19], $0x4E80  }
0x44: {  	[sflag:s19] =	ssyncset.done $0x0  }
0x45: {  	[sflag:s19] =	ssyncadd.s32 $0xFFFFB180  }
0x46: {  	[bflag:$0x0] =	sbarrier.arrive $0xFFFF  }
0x47: {  	[tilespmem:s23], [sflag:$0x1] =	stream.indirect.gather [hbm4b:s17+s22], $0x40, s4, s22, $0xb8;
	[tilespmem:$0x1ED00] =	vst v63  }
.Ltmp2:
0x48: {  	_ = 	snop;
	(pc) =	sbr.rel .LBB2_2-.Ltmp2, $4  }
0x49: {  	_ = 	snop  }
0x4a: {  	[tilespmem:s24], [sflag:$0x2] =	stream.indirect.gather [hbm4b:s17+s22], $0x40, s22, s22, $0xb8;
	[tilespmem:$0x1ED00] =	vst v63  }
0x4b: {  	s8 =	simm.s32 $0x180;
	s12 =	simm.s32 $0x100;
	s11 =	simm.s32 $0xFFFFFFFF  }
0x4c: {  	[tilespmem:s26], [sflag:$0x3] =	stream.indirect.gather [hbm4b:s17+s22], $0x40, s12, s22, $0xb8;
	[tilespmem:$0x1ED00] =	vst v63  }
.LBB2_18:
0x4d: {  	_ =	swait.ge [sflag:s31], $0x2000  }
0x4e: {  	[sflag:s31] =	ssyncset.done $0x0  }
0x4f: {  	[sflag:s31] =	ssyncadd.s32 $0xFFFFE000  }
.LBB2_20:
0x50: {  	s9 =	simm.s32 @p0 $0x80;
	s12 =	simm.s32 @p0 $0xDD00  }
0x51: {  	[tilespmem:s12], [sflag:$0x3] =	stream.indirect.gather @p0 [hbm4b:s7+s9], $0x40, s8, s9, $0xb8;
	[tilespmem:$0x1ED00] =	vst v63  }
0x52: {  	s9 =	simm.s32 @!p0 $0x80;
	s12 =	simm.s32 @!p0 $0xDD00  }
0x53: {  	[tilespmem:s12], [sflag:$0x3] =	stream.indirect.gather @!p0 [hbm4b:s6+s9], $0x40, s8, s9, $0xb8;
	[tilespmem:$0x1ED00] =	vst v63  }
.LBB2_21:
0x54: {  	s9 =	sand.u32 $0x1, s11  }
0x55: {  	p1 =	sne.s32 s9, s5  }
0x56: {  	p2 =	slt.u32 @!p1 s11, $0x2  }
0x57: {  	p2 =	por p2, p1  }
0x58: {  	s9 =	simm.s32 @!p2 $0x5  }
0x59: {  	_ =	swait.ge @!p2 [sflag:s9], $0x800  }
0x5a: {  	[sflag:s9] =	ssyncset.done @!p2 $0x0  }
0x5b: {  	s12 =	simm.s32 @!p1 $0x11D00;
	[sflag:s9] =	ssyncadd.s32 @!p2 $0xFFFFF800;
	s9 =	simm.s32 @!p1 $0x80  }
0x5c: {  	[spmem:s3] =	stream.indirect.scatter.add.f32 @!p1 [tilespmem:s12], [sflag:$0x5], $0x10, s25, s9, $0xb8;
	[tilespmem:$0x1ED00] =	vst v63  }
0x5d: {  	p1 =	sne.s32 s11, $0x9C  }
.Ltmp3:
0x5e: {  	_ = 	snop;
	(pc) =	sbr.rel @!p1 .LBB2_22-.Ltmp3, $2  }
0x5f: {  	_ =	sdelay $0x2  }
0x60: {  	s8 =	sadd.s32 $0x80, s8;
	s25 =	sadd.s32 $0x80, s25  }
.LBB2_2:
0x61: {  	s9 =	smov.u32 s11;
	s11 =	sadd.s32 $0x1, s11  }
0x62: {  	s12 =	sand.u32 $0x3, s11  }
0x63: {  	p1 =	sgt.s32 s12, $0x1  }
.Ltmp4:
0x64: {  	_ = 	snop;
	(pc) =	sbr.rel @p1 .LBB2_16-.Ltmp4, $1  }
0x65: {  	_ =	sdelay $0x3  }
0x66: {  	p1 =	seq.s32 s12, $0x0  }
.Ltmp5:
0x67: {  	_ = 	snop;
	(pc) =	sbr.rel @!p1 .LBB2_8-.Ltmp5, $1  }
0x68: {  	_ =	sdelay $0x3  }
0x69: {  	p1 =	sgt.u32 s9, $0x98  }
.Ltmp6:
0x6a: {  	_ = 	snop;
	(pc) =	sbr.rel @p1 .LBB2_6-.Ltmp6, $4  }
0x6b: {  	_ =	swait.ge [sflag:s28], $0x2000  }
0x6c: {  	[sflag:s28] =	ssyncset.done $0x0  }
0x6d: {  	[sflag:s28] =	ssyncadd.s32 $0xFFFFE000  }
0x6e: {  	[spmem:s2] =	stream.indirect.scatter.add.f32 [tilespmem:s23], [sflag:$0x1], $0x40, s25, s22, $0xb8;
	[tilespmem:$0x1ED00] =	vst v63  }
.Ltmp7:
0x6f: {  	(pc) =	sbr.rel .LBB2_7-.Ltmp7, $4  }
0x70: {  	_ = 	snop  }
0x71: {  	_ =	swait.ge [sflag:s29], $0x2000  }
0x72: {  	[sflag:s29] =	ssyncset.done $0x0  }
0x73: {  	[sflag:s29] =	ssyncadd.s32 $0xFFFFE000  }
.LBB2_16:
0x74: {  	p2 =	seq.s32 s12, $0x2  }
.Ltmp8:
0x75: {  	_ = 	snop;
	(pc) =	sbr.rel @!p2 .LBB2_17-.Ltmp8, $2  }
0x76: {  	_ =	sdelay $0x2  }
0x77: {  	p1 =	sgt.u32 s9, $0x98  }
.Ltmp9:
0x78: {  	(pc) =	sbr.rel @p1 .LBB2_14-.Ltmp9, $4  }
0x79: {  	_ =	swait.ge [sflag:s31], $0x2000  }
0x7a: {  	[sflag:s31] =	ssyncset.done $0x0  }
0x7b: {  	[sflag:s31] =	ssyncadd.s32 $0xFFFFE000  }
0x7c: {  	[spmem:s2] =	stream.indirect.scatter.add.f32 [tilespmem:s26], [sflag:$0x3], $0x40, s25, s22, $0xb8;
	[tilespmem:$0x1ED00] =	vst v63  }
.Ltmp10:
0x7d: {  	(pc) =	sbr.rel .LBB2_15-.Ltmp10, $4  }
0x7e: {  	_ = 	snop  }
0x7f: {  	_ =	swait.ge [sflag:s30], $0x2000  }
0x80: {  	[sflag:s30] =	ssyncset.done $0x0  }
0x81: {  	[sflag:s30] =	ssyncadd.s32 $0xFFFFE000  }
.LBB2_8:
0x82: {  	p1 =	sgt.u32 s9, $0x98  }
.Ltmp11:
0x83: {  	_ = 	snop;
	(pc) =	sbr.rel @p1 .LBB2_10-.Ltmp11, $4  }
0x84: {  	_ =	swait.ge [sflag:s30], $0x2000  }
0x85: {  	[sflag:s30] =	ssyncset.done $0x0  }
0x86: {  	[sflag:s30] =	ssyncadd.s32 $0xFFFFE000  }
0x87: {  	[spmem:s2] =	stream.indirect.scatter.add.f32 [tilespmem:s24], [sflag:$0x2], $0x40, s25, s22, $0xb8;
	[tilespmem:$0x1ED00] =	vst v63  }
.Ltmp12:
0x88: {  	(pc) =	sbr.rel .LBB2_11-.Ltmp12, $4  }
0x89: {  	_ = 	snop  }
0x8a: {  	_ =	swait.ge [sflag:s28], $0x2000  }
0x8b: {  	[sflag:s28] =	ssyncset.done $0x0  }
0x8c: {  	[sflag:s28] =	ssyncadd.s32 $0xFFFFE000  }
.LBB2_17:
.Ltmp13:
0x8d: {  	(pc) =	sbr.rel @!p1 .LBB2_18-.Ltmp13, $4  }
0x8e: {  	_ =	swait.ge [sflag:s29], $0x2000  }
0x8f: {  	[sflag:s29] =	ssyncset.done $0x0  }
0x90: {  	[sflag:s29] =	ssyncadd.s32 $0xFFFFE000  }
0x91: {  	[spmem:s2] =	stream.indirect.scatter.add.f32 [tilespmem:s1], [sflag:$0x4], $0x40, s25, s22, $0xb8;
	[tilespmem:$0x1ED00] =	vst v63  }
0x92: {  	p1 =	sgt.u32 s11, $0x99  }
.Ltmp14:
0x93: {  	_ = 	snop;
	(pc) =	sbr.rel @p1 .LBB2_21-.Ltmp14, $4  }
.Ltmp15:
0x94: {  	_ = 	snop;
	(pc) =	sbr.rel @!p1 .LBB2_20-.Ltmp15, $4  }
0x95: {  	_ = 	snop  }
0x96: {  	_ = 	snop  }
0x97: {  	_ = 	snop  }
0x98: {  	_ = 	snop  }
.LBB2_6:
0x99: {  	p1 =	sgt.u32 s11, $0x99  }
.Ltmp16:
0x9a: {  	_ = 	snop;
	(pc) =	sbr.rel @p1 .LBB2_21-.Ltmp16, $1  }
0x9b: {  	_ =	sdelay $0x3  }
.LBB2_7:
.Ltmp17:
0x9c: {  	(pc) =	sbr.rel .LBB2_21-.Ltmp17, $4  }
0x9d: {  	s9 =	simm.s32 @p0 $0x80;
	s12 =	simm.s32 @p0 $0xFD00  }
0x9e: {  	[tilespmem:s12], [sflag:$0x4] =	stream.indirect.gather @p0 [hbm4b:s7+s9], $0x40, s8, s9, $0xb8;
	[tilespmem:$0x1ED00] =	vst v63  }
0x9f: {  	s9 =	simm.s32 @!p0 $0x80;
	s12 =	simm.s32 @!p0 $0xFD00  }
0xa0: {  	[tilespmem:s12], [sflag:$0x4] =	stream.indirect.gather @!p0 [hbm4b:s6+s9], $0x40, s8, s9, $0xb8;
	[tilespmem:$0x1ED00] =	vst v63  }
.LBB2_14:
0xa1: {  	p1 =	sgt.u32 s11, $0x99  }
.Ltmp18:
0xa2: {  	_ = 	snop;
	(pc) =	sbr.rel @p1 .LBB2_21-.Ltmp18, $1  }
0xa3: {  	_ =	sdelay $0x3  }
.LBB2_15:
.Ltmp19:
0xa4: {  	(pc) =	sbr.rel .LBB2_21-.Ltmp19, $4  }
0xa5: {  	s9 =	simm.s32 @p0 $0x80;
	s12 =	simm.s32 @p0 $0xBD00  }
0xa6: {  	[tilespmem:s12], [sflag:$0x2] =	stream.indirect.gather @p0 [hbm4b:s7+s9], $0x40, s8, s9, $0xb8;
	[tilespmem:$0x1ED00] =	vst v63  }
0xa7: {  	s9 =	simm.s32 @!p0 $0x80;
	s12 =	simm.s32 @!p0 $0xBD00  }
0xa8: {  	[tilespmem:s12], [sflag:$0x2] =	stream.indirect.gather @!p0 [hbm4b:s6+s9], $0x40, s8, s9, $0xb8;
	[tilespmem:$0x1ED00] =	vst v63  }
.LBB2_10:
0xa9: {  	p1 =	sgt.u32 s11, $0x99  }
.Ltmp20:
0xaa: {  	_ = 	snop;
	(pc) =	sbr.rel @p1 .LBB2_21-.Ltmp20, $1  }
0xab: {  	_ =	sdelay $0x3  }
.LBB2_11:
.Ltmp21:
0xac: {  	(pc) =	sbr.rel .LBB2_21-.Ltmp21, $4  }
0xad: {  	s9 =	simm.s32 @p0 $0x80;
	s12 =	simm.s32 @p0 $0x9D00  }
0xae: {  	[tilespmem:s12], [sflag:$0x1] =	stream.indirect.gather @p0 [hbm4b:s7+s9], $0x40, s8, s9, $0xb8;
	[tilespmem:$0x1ED00] =	vst v63  }
0xaf: {  	s9 =	simm.s32 @!p0 $0x80;
	s12 =	simm.s32 @!p0 $0x9D00  }
0xb0: {  	[tilespmem:s12], [sflag:$0x1] =	stream.indirect.gather @!p0 [hbm4b:s6+s9], $0x40, s8, s9, $0xb8;
	[tilespmem:$0x1ED00] =	vst v63  }
.LBB2_23:
0xb1: {  	_ =	sfence.sel $0x180000  }
0xb2: {  	[bflag:$0x0] =	sbarrier.arrive $0xFFFF  }
0xb3: {  	_ =	strace $0x90000047  }
0xb4: {  	s0 =	stileid.u32;
	[bflag:$0x2] =	sbarrier.arrive $0xFFFF  }
0xb5: {  	p0 =	sne.s32 s0, $0x0;
	s0 =	rddreg [dreg:$0x4]  }
0xb6: {  	s0 =	sadd.s32 @!p0 $0x100000, s0  }
0xb7: {  	[sflag:s0] =	ssyncadd.tile.s32 @!p0 $0x1;
	_ =	shalt  }
.Lfunc_end2:
_tile_overlayer_lowered:
.L_overlay_start_2:
0xb8: {  	(tag) =	ssettag $0x2  }
0xb9: {  	s0 =	rddreg [dreg:$0x0];
	s2 =	stileid.u32  }
0xba: {  	s1 =	rddreg [dreg:$0x1];
	p0 =	sne.s32 s2, $0x0  }
0xbb: {  	s3 =	rddreg [dreg:$0x2];
	[bflag:$0x3] =	sbarrier.arrive $0xFFFF;
	s2 =	simm.s32 @!p0 $0x1C06  }
0xbc: {  	[timem:s3], [sflag:s2] =	dma.local @!p0 [hbm:s0], s1  }
0xbd: {  	s0 =	simm.s32 @!p0 $0x6  }
0xbe: {  	_ =	swait.ge @!p0 [sflag:s0], s1  }
0xbf: {  	s1 =	ssub.s32 @!p0 $0x0, s1;
	[sflag:s0] =	ssyncset.done @!p0 $0x0  }
0xc0: {  	[sflag:s0] =	ssyncadd.s32 @!p0 s1  }
0xc1: {  	[bflag:$0x3] =	sbarrier.arrive $0xFFFF  }
0xc2: {  	_ =	shalt  }

// kernel: kernel.9.cloned.1.call-start
scs
__scs_entry_jumppad:
0x0: {  	(pc) =	sbr.rel $0x88, $3  }
0x1: {  	(tag) =	ssettag $0x0;
	lr =	simm.s32 $0x1  }
0x2: {  	[smem:$0x3F9A] =	sst lr;
	_ =	strace $0xD0000000  }
0x3: {  	_ = 	snop  }
0x4: {  	_ = 	snop  }
0x5: {  	_ = 	snop  }
0x6: {  	_ = 	snop  }
0x7: {  	_ = 	snop  }
__scs_overlays_trampoline_lowered:
0x8: {  	[smem:$0x3FA9] =	sst s0  }
0x9: {  	[smem:$0x3FAA] =	sst s1  }
0xa: {  	[smem:$0x3FAB] =	sst s2  }
0xb: {  	[smem:$0x3FAC] =	sst s3  }
0xc: {  	[smem:$0x3FAD] =	sst s4  }
0xd: {  	[smem:$0x3FAE] =	sst s5  }
0xe: {  	[smem:$0x3FAF] =	sst s6  }
0xf: {  	[smem:$0x3FB0] =	sst s7  }
0x10: {  	[smem:$0x3FB1] =	sst s8  }
0x11: {  	[smem:$0x3FB2] =	sst s9;
	s0 =	simm.s32 @!p0 $0x0  }
0x12: {  	s1 =	sld [smem:$0x3F98];
	s0 =	simm.s32 @p0 $0x1  }
0x13: {  	[smem:$0x3FB3] =	sst s0;
	s0 =	simm.s32 @!p1 $0x0  }
0x14: {  	s2 =	sld [smem:$0x3F97];
	s0 =	simm.s32 @p1 $0x1  }
0x15: {  	[smem:$0x3FB4] =	sst s0;
	s0 =	simm.s32 @!p2 $0x0  }
0x16: {  	s3 =	sld [smem:$0x3FDB];
	s0 =	simm.s32 @p2 $0x1  }
0x17: {  	s4 =	simm.s32 $0x1BF5;
	[smem:$0x3FB6] =	sst s0  }
0x18: {  	s0 =	sld [smem:$0x3F99];
	_ =	swait.ge [sflag:s4], $0x0  }
0x19: {  	s7 =	sld [smem:$0x3F9A]  }
0x1a: {  	s8 =	sadd.s32 $0xFFFFE003, lr  }
0x1b: {  	s9 =	sadd.s32 $0xFFFFFEF7, lr;
	s5 =	simm.s32 $0xFFFFFFFF;
	p2 =	slt.u32 s8, $0xFFFFF086  }
0x1c: {  	p1 =	slt.u32 s9, $0xF7A;
	s5 =	simm.s32 @!p2 $0x0  }
0x1d: {  	s5 =	simm.s32 @p1 $0x1;
	p0 =	seq.s32 s7, s2  }
0x1e: {  	s7 =	smul.u32 @!p0 $0xF7A, s2;
	p2 =	seq.s32 @!p0 s5, $0x0  }
0x1f: {  	s9 =	smul.u32 $0xF7A, s1;
	s8 =	simm.s32 @!p0 $0x1BF5;
	p2 =	por !p2, p0  }
0x20: {  	[sflag:s8] =	ssyncset.s32 @!p0 $0xFFFFF086;
	s6 =	sadd.s32 @!p0 s3, s7;
	s7 =	simm.s32 @!p0 $0x108  }
0x21: {  	s3 =	sadd.s32 s3, s9;
	s6 =	sadd.s32 @!p0 $0x88, s6;
	s7 =	simm.s32 @p2 $0x1082  }
0x22: {  	[simem:s7], [sflag:s8] =	dma.local @!p0 [hbm:s6], $0xF7A  }
0x23: {  	s9 =	sor.u32 $0xD0000000, s2;
	s6 =	simm.s32 $0x108;
	_ =	swait.ge @!p0 [sflag:s8], $0x0  }
0x24: {  	s3 =	sadd.s32 $0x88, s3;
	s6 =	simm.s32 @!p1 $0x1082;
	[sflag:s4] =	ssyncset.s32 $0xFFFFF086  }
0x25: {  	[simem:s6], [sflag:s4] =	dma.local [hbm:s3], $0xF7A  }
0x26: {  	[smem:$0x3F9A] =	sst s1;
	(tag) =	ssettag s2;
	_ =	strace s9  }
0x27: {  	s1 =	sld [smem:$0x3FAA]  }
0x28: {  	s2 =	sld [smem:$0x3FAB]  }
0x29: {  	s4 =	sld [smem:$0x3FAD]  }
0x2a: {  	p0 =	seq.s32 s5, $0x0;
	s5 =	sld [smem:$0x3FAE]  }
0x2b: {  	s6 =	sld [smem:$0x3FAF]  }
0x2c: {  	s7 =	sld [smem:$0x3FB0]  }
0x2d: {  	s3 =	simm.s32 $0x108;
	s8 =	sld [smem:$0x3FB1]  }
0x2e: {  	s3 =	simm.s32 @!p0 $0x1082;
	s9 =	sld [smem:$0x3FB2]  }
0x2f: {  	lr =	sadd.s32 s0, s3;
	s0 =	sld [smem:$0x3FA9]  }
0x30: {  	s3 =	sld [smem:$0x3FAC]  }
0x31: {  	[smem:$0x3FB5] =	sst s10  }
0x32: {  	s10 =	sld [smem:$0x3FB3];
	_ =	sdelay $0x3  }
0x33: {  	p0 =	seq.s32 s10, $0x1;
	s10 =	sld [smem:$0x3FB5];
	_ =	sdelay $0x3  }
0x34: {  	[smem:$0x3FB5] =	sst s10  }
0x35: {  	s10 =	sld [smem:$0x3FB4];
	_ =	sdelay $0x3  }
0x36: {  	p1 =	seq.s32 s10, $0x1;
	s10 =	sld [smem:$0x3FB5];
	_ =	sdelay $0x3  }
0x37: {  	[smem:$0x3FB5] =	sst s10  }
0x38: {  	s10 =	sld [smem:$0x3FB6]  }
0x39: {  	_ = 	snop;
	(pc) =	sbr.ind lr, $3  }
0x3a: {  	_ = 	snop  }
0x3b: {  	_ = 	snop  }
0x3c: {  	p2 =	seq.s32 s10, $0x1;
	s10 =	sld [smem:$0x3FB5]  }
0x3d: {  	_ =	shalt  }
0x3e: {  	_ =	shalt  }
0x3f: {  	_ =	shalt  }
0x40: {  	_ =	shalt  }
0x41: {  	_ =	shalt  }
0x42: {  	_ =	shalt  }
0x43: {  	_ =	shalt  }
0x44: {  	_ =	shalt  }
0x45: {  	_ =	shalt  }
0x46: {  	_ =	shalt  }
0x47: {  	_ =	shalt  }
0x48: {  	_ =	shalt  }
0x49: {  	_ =	shalt  }
0x4a: {  	_ =	shalt  }
0x4b: {  	_ =	shalt  }
0x4c: {  	_ =	shalt  }
0x4d: {  	_ =	shalt  }
0x4e: {  	_ =	shalt  }
0x4f: {  	_ =	shalt  }
0x50: {  	_ =	shalt  }
0x51: {  	_ =	shalt  }
0x52: {  	_ =	shalt  }
0x53: {  	_ =	shalt  }
0x54: {  	_ =	shalt  }
0x55: {  	_ =	shalt  }
0x56: {  	_ =	shalt  }
0x57: {  	_ =	shalt  }
0x58: {  	_ =	shalt  }
0x59: {  	_ =	shalt  }
0x5a: {  	_ =	shalt  }
0x5b: {  	_ =	shalt  }
0x5c: {  	_ =	shalt  }
0x5d: {  	_ =	shalt  }
0x5e: {  	_ =	shalt  }
0x5f: {  	_ =	shalt  }
0x60: {  	_ =	shalt  }
0x61: {  	_ =	shalt  }
0x62: {  	_ =	shalt  }
0x63: {  	_ =	shalt  }
0x64: {  	_ =	shalt  }
0x65: {  	_ =	shalt  }
0x66: {  	_ =	shalt  }
0x67: {  	_ =	shalt  }
0x68: {  	_ =	shalt  }
0x69: {  	_ =	shalt  }
0x6a: {  	_ =	shalt  }
0x6b: {  	_ =	shalt  }
0x6c: {  	_ =	shalt  }
0x6d: {  	_ =	shalt  }
0x6e: {  	_ =	shalt  }
0x6f: {  	_ =	shalt  }
0x70: {  	_ =	shalt  }
0x71: {  	_ =	shalt  }
0x72: {  	_ =	shalt  }
0x73: {  	_ =	shalt  }
0x74: {  	_ =	shalt  }
0x75: {  	_ =	shalt  }
0x76: {  	_ =	shalt  }
0x77: {  	_ =	shalt  }
0x78: {  	_ =	shalt  }
0x79: {  	_ =	shalt  }
0x7a: {  	_ =	shalt  }
0x7b: {  	_ =	shalt  }
0x7c: {  	_ =	shalt  }
0x7d: {  	_ =	shalt  }
0x7e: {  	_ =	shalt  }
0x7f: {  	_ =	shalt  }
0x80: {  	_ =	shalt  }
0x81: {  	_ =	shalt  }
0x82: {  	_ =	shalt  }
0x83: {  	_ =	shalt  }
0x84: {  	_ =	shalt  }
0x85: {  	_ =	shalt  }
0x86: {  	_ =	shalt  }
0x87: {  	_ =	shalt  }
.Lfunc_end0:
.L_simem_size_0:
called_computation.1_lowered:
.L_overlay_start_0:
0x88: {  	s2 =	sld [smem:$0x3FD9]  }
0x89: {  	s3 =	sld [smem:$0x3FFE];
	_ =	sdelay $0x1  }
0x8a: {  	s1 =	srdreg.scid  }
0x8b: {  	s0 =	sand.u32 $0x1, s1  }
0x8c: {  	s16 =	sshll.u32 s0, $0xA;
	s2 =	sadd.s32 s3, s2  }
0x8d: {  	s2 =	sadd.s32 s2, s16  }
0x8e: {  	[smem:$0x3FC1] =	sst s2  }
0x8f: {  	_ = 	snop  }
0x90: {  	(tm) =	ssettm $0x1  }
0x91: {  	s17 =	sld [smem:$0x3FFB];
	_ =	sdelay $0x3  }
0x92: {  	_ =	strace s17  }
0x93: {  	s2 =	sld [smem:$0x3FFC];
	_ =	sdelay $0x3  }
0x94: {  	_ =	strace s2  }
0x95: {  	s2 =	sld [smem:$0x3FFD];
	_ =	sdelay $0x3  }
0x96: {  	_ =	strace s2  }
0x97: {  	_ =	strace $0x8FFFFFFF  }
0x98: {  	s18 =	sld [smem:$0x3FDB];
	_ =	sdelay $0x1  }
0x99: {  	s19 =	simm.s32 $_scs_section_size  }
0x9a: {  	s4 =	simm.s32 $_size__tile_overlayer_lowered;
	s5 =	simm.s32 $_tile_overlayer_lowered  }
0x9b: {  	s22 =	simm.s32 $0x1BFF;
	s21 =	sshll.u32 s5, $0x1;
	s2 =	sadd.s32 s19, s18  }
0x9c: {  	s6 =	simm.s32 $0x0;
	s20 =	sshll.u32 s4, $0x1;
	s4 =	sadd.s32 s21, s2  }
0x9d: {  	[timem:s6], [sflag:s22] =	dma.local [hbm:s4], s20  }
0x9e: {  	_ =	swait.ge [sflag:s22], s20  }
0x9f: {  	s3 =	ssub.s32 $0x0, s20;
	[sflag:s22] =	ssyncset.done $0x0  }
0xa0: {  	[sflag:s22] =	ssyncadd.s32 s3;
	_ =	sdelay $0x1  }
0xa1: {  	s23 =	simm.s32 $0x1B8B  }
0xa2: {  	_ =	swait.ge [sflag:s23], $0x1  }
0xa3: {  	[sflag:s23] =	ssyncset.done $0x0  }
0xa4: {  	s25 =	simm.s32 $0x1B8E;
	s24 =	sld [smem:$0x3FFE];
	[sflag:s23] =	ssyncadd.s32 $0xFFFFFFFF  }
0xa5: {  	s26 =	simm.s32 $execute0_lowered;
	[smem:$0x3FD2] =	sst s25  }
0xa6: {  	s4 =	sshll.u32 s26, $0x1;
	_ =	strace $0x80000049;
	[dreg:$0x1] =	wrdreg $0xFFFFFFFF  }
0xa7: {  	s28 =	simm.s32 $_size_execute0_lowered;
	s2 =	sadd.s32 s2, s4;
	[dreg:$0x0] =	wrdreg $0x0  }
0xa8: {  	s4 =	sshll.u32 s28, $0x1;
	[dreg:$0x2] =	wrdreg s2  }
0xa9: {  	[dreg:$0x3] =	wrdreg s4  }
0xaa: {  	[dreg:$0x4] =	wrdreg $0xC0  }
0xab: {  	_ =	task [dreg:s6], $0x5FFFF  }
0xac: {  	[dreg:$0x1] =	wrdreg $0xFFFFFFFF  }
0xad: {  	[dreg:$0x0] =	wrdreg $0x60  }
0xae: {  	[dreg:$0x2] =	wrdreg s24  }
0xaf: {  	[dreg:$0x3] =	wrdreg $0x11D000  }
0xb0: {  	[dreg:$0x4] =	wrdreg $0x9  }
0xb1: {  	_ =	task.clear_ibuf [dreg:s6], $0x5FFFF;
	_ =	strace $0x90000049  }
0xb2: {  	s29 =	simm.s32 $0x9;
	_ =	strace $0x8000004B  }
0xb3: {  	_ =	swait.ge [sflag:s29], $0x1  }
0xb4: {  	[sflag:s29] =	ssyncadd.s32 $0xFFFFFFFF  }
0xb5: {  	_ =	strace $0x9000004B  }
0xb6: {  	_ =	sfence  }
0xb7: {  	s30 =	sld [smem:$0x0];
	_ =	sdelay $0x2  }
0xb8: {  	s31 =	sshll.u32 s1, $0xD;
	s1 =	sshrl.u32 s1, $0x2  }
0xb9: {  	s3 =	sand.u32 $0x4000, s31;
	s1 =	sadd.s32 s1, s30  }
0xba: {  	s0 =	sor.u32 s3, s0;
	s1 =	sshll.u32 s1, $0x11  }
0xbb: {  	s0 =	sor.u32 s1, s0  }
0xbc: {  	s0 =	sadd.s32 $0x8F2B, s0  }
0xbd: {  	[sflag:s0] =	ssyncadd.remote.s32 $0x1  }
0xbe: {  	_ =	sfence.sel $0xFFFF  }
0xbf: {  	[dreg:$0x0] =	wrdreg $0xFFFFFFFF;
	(pc) =	sbr.abs _section_cstart, $3  }
0xc0: {  	[dreg:$0x1] =	wrdreg $0xFFFFFFFF  }
0xc1: {  	_ =	task.clear_ibuf [dreg:s6], $0x2FFFF;
	_ =	strace $0x9FFFFFFF  }
0xc2: {  	(tm) =	ssettm $0x7FFFFFFF  }
0xc3: {  	_ =	shalt  }
tec
execute0_lowered:
.L_overlay_start_1:
0x0: {  	(tag) =	ssettag $0x1  }
0x1: {  	s0 =	rddreg [dreg:$0x0]  }
0x2: {  	s1 =	rddreg [dreg:$0x1];
	s3 =	simm.s32 $0x0  }
0x3: {  	s2 =	stileid.u32;
	s5 =	srdreg.scid;
	s15 =	simm.s32 $0x80  }
0x4: {  	s16 =	simm.s32 $0x9D00;
	s17 =	simm.s32 $0xBD00;
	s18 =	simm.s32 $0x100  }
0x5: {  	s19 =	simm.s32 $0xDD00;
	s20 =	simm.s32 $0x1;
	s21 =	simm.s32 $0x4  }
0x6: {  	s23 =	simm.s32 $0x3;
	s25 =	simm.s32 $0xFD00;
	[smem:$0x7FF] =	sst s3  }
0x7: {  	s4 =	sadd.s32 $0x15800, s0;
	s6 =	smul.u32 $0x9D0, s2;
	s22 =	sand.u32 $0x1, s5  }
0x8: {  	s7 =	smul.u32 $0xA000, s2;
	s12 =	sshll.u32 s2, $0xD;
	s5 =	sadd.s32 $0x1E00, s0  }
0x9: {  	s30 =	sshll.u32 s2, $0x6;
	_ =	strace $0x8000004A;
	s8 =	sshll.u32 s22, $0x11  }
0xa: {  	s10 =	ssub.s32 $0x2, s22;
	p0 =	seq.s32 s22, $0x0;
	s11 =	smov.u32 s5  }
0xb: {  	s31 =	sadd.s32 s12, s1;
	s9 =	sadd.s32 s6, s0;
	s26 =	sor.u32 s12, s8  }
0xc: {  	s28 =	sshrl.u32 s7, $0x3;
	s29 =	sshrl.u32 s10, $0x1;
	s14 =	sadd.s32 s7, s1  }
0xd: {  	s7 =	sor.u32 $0x1C05, s30;
	s11 =	smov.u32 @p0 s4;
	p0 =	sne.s32 s22, $0x0  }
.Ltmp0:
0xe: {  	s22 =	simm.s32 $0x2;
	s24 =	sshrl.u32 s31, $0x3;
	(pc) =	sbr.rel .LBB2_1-.Ltmp0, $4  }
0xf: {  	s6 =	sshrl.u32 s26, $0x3;
	s8 =	sadd.s32 s28, s0;
	s13 =	ssub.s32 s10, s29  }
0x10: {  	s26 =	simm.s32 $0x0;
	s0 =	sadd.s32 s6, s0;
	s6 =	sadd.s32 $0x3CE00, s8  }
0x11: {  	s8 =	sadd.s32 $0x33000, s9;
	s9 =	sadd.s32 $0x29200, s9;
	s12 =	smax.u32 s13, $0x1  }
0x12: {  	s13 =	sshrl.u32 s14, $0x3;
	s14 =	simm.s32 $0x5;
	s10 =	sadd.s32 $0x51000, s0  }
.LBB2_22:
0x13: {  	_ =	swait.ge [sflag:s22], $0x2000  }
0x14: {  	[sflag:s22] =	ssyncset.done $0x0  }
0x15: {  	[sflag:s22] =	ssyncadd.s32 $0xFFFFE000  }
0x16: {  	_ =	swait.ge [sflag:s23], $0x2000  }
0x17: {  	[sflag:s23] =	ssyncset.done $0x0  }
0x18: {  	[sflag:s23] =	ssyncadd.s32 $0xFFFFE000  }
0x19: {  	_ =	swait.ge [sflag:s21], $0x2000  }
0x1a: {  	[sflag:s21] =	ssyncset.done $0x0  }
0x1b: {  	[sflag:s21] =	ssyncadd.s32 $0xFFFFE000  }
0x1c: {  	_ =	swait.ge [sflag:s20], $0x2000  }
0x1d: {  	s26 =	sadd.s32 $0x1, s26;
	[sflag:s20] =	ssyncset.done $0x0  }
0x1e: {  	p1 =	sne.s32 s26, s12;
	[sflag:s20] =	ssyncadd.s32 $0xFFFFE000  }
.Ltmp1:
0x1f: {  	[bflag:$0x0] =	sbarrier.arrive $0xFFFF;
	(pc) =	sbr.rel @!p1 .LBB2_23-.Ltmp1, $4  }
0x20: {  	[hbm:s10], [sflag:s7] =	dma.local [spmem:s24], $0x400  }
0x21: {  	_ =	swait.ge [sflag:s14], $0x400  }
0x22: {  	[sflag:s14] =	ssyncset.done $0x0  }
0x23: {  	[sflag:s14] =	ssyncadd.s32 $0xFFFFFC00  }
.LBB2_1:
0x24: {  	[spmem:s13], [sflag:s7] =	dma.local [hbm:s6], $0x1400  }
0x25: {  	_ =	swait.ge [sflag:s14], $0x1400  }
0x26: {  	[sflag:s14] =	ssyncset.done $0x0  }
0x27: {  	[sflag:s14] =	ssyncadd.s32 $0xFFFFEC00  }
0x28: {  	[tilespmem:s3], [sflag:$0x5] =	stream.linear.gather [hbm4b:s8+s3], $0x4E80, $0x38;
	[tilespmem:$0x1BD00] =	vst v63  }
0x29: {  	_ =	swait.ge [sflag:s14], $0x4E80  }
0x2a: {  	[sflag:s14] =	ssyncset.done $0x0  }
0x2b: {  	s28 =	simm.s32 $0x4E80;
	[sflag:s14] =	ssyncadd.s32 $0xFFFFB180  }
0x2c: {  	[tilespmem:s28], [sflag:$0x5] =	stream.linear.gather [hbm4b:s9+s3], $0x4E80, $0x38;
	[tilespmem:$0x1BD00] =	vst v63  }
0x2d: {  	_ =	swait.ge [sflag:s14], $0x4E80  }
0x2e: {  	[sflag:s14] =	ssyncset.done $0x0  }
0x2f: {  	[sflag:s14] =	ssyncadd.s32 $0xFFFFB180  }
0x30: {  	[bflag:$0x0] =	sbarrier.arrive $0xFFFF  }
0x31: {  	[tilespmem:s16], [sflag:$0x1] =	stream.indirect.gather [hbm4b:s11+s15], $0x40, s3, s15, $0xb8;
	[tilespmem:$0x1BD00] =	vst v63  }
.Ltmp2:
0x32: {  	_ = 	snop;
	(pc) =	sbr.rel .LBB2_2-.Ltmp2, $4  }
0x33: {  	_ = 	snop  }
0x34: {  	[tilespmem:s17], [sflag:$0x2] =	stream.indirect.gather [hbm4b:s11+s15], $0x40, s15, s15, $0xb8;
	[tilespmem:$0x1BD00] =	vst v63  }
0x35: {  	s30 =	simm.s32 $0xFFFFFFFF;
	s29 =	simm.s32 $0x180  }
0x36: {  	[tilespmem:s19], [sflag:$0x3] =	stream.indirect.gather [hbm4b:s11+s15], $0x40, s18, s15, $0xb8;
	[tilespmem:$0x1BD00] =	vst v63  }
.LBB2_18:
0x37: {  	_ =	swait.ge [sflag:s23], $0x2000  }
0x38: {  	[sflag:s23] =	ssyncset.done $0x0  }
0x39: {  	[sflag:s23] =	ssyncadd.s32 $0xFFFFE000  }
.LBB2_20:
0x3a: {  	s0 =	simm.s32 @p0 $0x80;
	s31 =	simm.s32 @p0 $0xDD00  }
0x3b: {  	[tilespmem:s31], [sflag:$0x3] =	stream.indirect.gather @p0 [hbm4b:s5+s0], $0x40, s29, s0, $0xb8;
	[tilespmem:$0x1BD00] =	vst v63  }
0x3c: {  	s0 =	simm.s32 @!p0 $0x80;
	s31 =	simm.s32 @!p0 $0xDD00  }
0x3d: {  	[tilespmem:s31], [sflag:$0x3] =	stream.indirect.gather @!p0 [hbm4b:s4+s0], $0x40, s29, s0, $0xb8;
	[tilespmem:$0x1BD00] =	vst v63  }
.LBB2_21:
0x3e: {  	p1 =	sne.s32 s30, $0x9C  }
.Ltmp3:
0x3f: {  	_ = 	snop;
	(pc) =	sbr.rel @!p1 .LBB2_22-.Ltmp3, $2  }
0x40: {  	_ =	sdelay $0x2  }
0x41: {  	s29 =	sadd.s32 $0x80, s29;
	s28 =	sadd.s32 $0x80, s28  }
.LBB2_2:
0x42: {  	s31 =	smov.u32 s30;
	s30 =	sadd.s32 $0x1, s30  }
0x43: {  	s0 =	sand.u32 $0x3, s30  }
0x44: {  	p1 =	sgt.s32 s0, $0x1  }
.Ltmp4:
0x45: {  	_ = 	snop;
	(pc) =	sbr.rel @p1 .LBB2_16-.Ltmp4, $1  }
0x46: {  	_ =	sdelay $0x3  }
0x47: {  	p1 =	seq.s32 s0, $0x0  }
.Ltmp5:
0x48: {  	_ = 	snop;
	(pc) =	sbr.rel @!p1 .LBB2_8-.Ltmp5, $1  }
0x49: {  	_ =	sdelay $0x3  }
0x4a: {  	p1 =	sgt.u32 s31, $0x98  }
.Ltmp6:
0x4b: {  	_ = 	snop;
	(pc) =	sbr.rel @p1 .LBB2_6-.Ltmp6, $4  }
0x4c: {  	_ =	swait.ge [sflag:s20], $0x2000  }
0x4d: {  	[sflag:s20] =	ssyncset.done $0x0  }
0x4e: {  	[sflag:s20] =	ssyncadd.s32 $0xFFFFE000  }
0x4f: {  	[spmem:s1] =	stream.indirect.scatter.add.f32 [tilespmem:s16], [sflag:$0x1], $0x40, s28, s15, $0xb8;
	[tilespmem:$0x1BD00] =	vst v63  }
.Ltmp7:
0x50: {  	(pc) =	sbr.rel .LBB2_7-.Ltmp7, $4  }
0x51: {  	_ = 	snop  }
0x52: {  	_ =	swait.ge [sflag:s21], $0x2000  }
0x53: {  	[sflag:s21] =	ssyncset.done $0x0  }
0x54: {  	[sflag:s21] =	ssyncadd.s32 $0xFFFFE000  }
.LBB2_16:
0x55: {  	p2 =	seq.s32 s0, $0x2  }
.Ltmp8:
0x56: {  	_ = 	snop;
	(pc) =	sbr.rel @!p2 .LBB2_17-.Ltmp8, $2  }
0x57: {  	_ =	sdelay $0x2  }
0x58: {  	p1 =	sgt.u32 s31, $0x98  }
.Ltmp9:
0x59: {  	(pc) =	sbr.rel @p1 .LBB2_14-.Ltmp9, $4  }
0x5a: {  	_ =	swait.ge [sflag:s23], $0x2000  }
0x5b: {  	[sflag:s23] =	ssyncset.done $0x0  }
0x5c: {  	[sflag:s23] =	ssyncadd.s32 $0xFFFFE000  }
0x5d: {  	[spmem:s1] =	stream.indirect.scatter.add.f32 [tilespmem:s19], [sflag:$0x3], $0x40, s28, s15, $0xb8;
	[tilespmem:$0x1BD00] =	vst v63  }
.Ltmp10:
0x5e: {  	(pc) =	sbr.rel .LBB2_15-.Ltmp10, $4  }
0x5f: {  	_ = 	snop  }
0x60: {  	_ =	swait.ge [sflag:s22], $0x2000  }
0x61: {  	[sflag:s22] =	ssyncset.done $0x0  }
0x62: {  	[sflag:s22] =	ssyncadd.s32 $0xFFFFE000  }
.LBB2_8:
0x63: {  	p1 =	sgt.u32 s31, $0x98  }
.Ltmp11:
0x64: {  	_ = 	snop;
	(pc) =	sbr.rel @p1 .LBB2_10-.Ltmp11, $4  }
0x65: {  	_ =	swait.ge [sflag:s22], $0x2000  }
0x66: {  	[sflag:s22] =	ssyncset.done $0x0  }
0x67: {  	[sflag:s22] =	ssyncadd.s32 $0xFFFFE000  }
0x68: {  	[spmem:s1] =	stream.indirect.scatter.add.f32 [tilespmem:s17], [sflag:$0x2], $0x40, s28, s15, $0xb8;
	[tilespmem:$0x1BD00] =	vst v63  }
.Ltmp12:
0x69: {  	(pc) =	sbr.rel .LBB2_11-.Ltmp12, $4  }
0x6a: {  	_ = 	snop  }
0x6b: {  	_ =	swait.ge [sflag:s20], $0x2000  }
0x6c: {  	[sflag:s20] =	ssyncset.done $0x0  }
0x6d: {  	[sflag:s20] =	ssyncadd.s32 $0xFFFFE000  }
.LBB2_17:
.Ltmp13:
0x6e: {  	(pc) =	sbr.rel @!p1 .LBB2_18-.Ltmp13, $4  }
0x6f: {  	_ =	swait.ge [sflag:s21], $0x2000  }
0x70: {  	[sflag:s21] =	ssyncset.done $0x0  }
0x71: {  	[sflag:s21] =	ssyncadd.s32 $0xFFFFE000  }
0x72: {  	[spmem:s1] =	stream.indirect.scatter.add.f32 [tilespmem:s25], [sflag:$0x4], $0x40, s28, s15, $0xb8;
	[tilespmem:$0x1BD00] =	vst v63  }
0x73: {  	p1 =	sgt.u32 s30, $0x99  }
.Ltmp14:
0x74: {  	_ = 	snop;
	(pc) =	sbr.rel @p1 .LBB2_21-.Ltmp14, $4  }
.Ltmp15:
0x75: {  	_ = 	snop;
	(pc) =	sbr.rel @!p1 .LBB2_20-.Ltmp15, $4  }
0x76: {  	_ = 	snop  }
0x77: {  	_ = 	snop  }
0x78: {  	_ = 	snop  }
0x79: {  	_ = 	snop  }
.LBB2_6:
0x7a: {  	p1 =	sgt.u32 s30, $0x99  }
.Ltmp16:
0x7b: {  	_ = 	snop;
	(pc) =	sbr.rel @p1 .LBB2_21-.Ltmp16, $1  }
0x7c: {  	_ =	sdelay $0x3  }
.LBB2_7:
.Ltmp17:
0x7d: {  	(pc) =	sbr.rel .LBB2_21-.Ltmp17, $4  }
0x7e: {  	s0 =	simm.s32 @p0 $0x80;
	s31 =	simm.s32 @p0 $0xFD00  }
0x7f: {  	[tilespmem:s31], [sflag:$0x4] =	stream.indirect.gather @p0 [hbm4b:s5+s0], $0x40, s29, s0, $0xb8;
	[tilespmem:$0x1BD00] =	vst v63  }
0x80: {  	s0 =	simm.s32 @!p0 $0x80;
	s31 =	simm.s32 @!p0 $0xFD00  }
0x81: {  	[tilespmem:s31], [sflag:$0x4] =	stream.indirect.gather @!p0 [hbm4b:s4+s0], $0x40, s29, s0, $0xb8;
	[tilespmem:$0x1BD00] =	vst v63  }
.LBB2_14:
0x82: {  	p1 =	sgt.u32 s30, $0x99  }
.Ltmp18:
0x83: {  	_ = 	snop;
	(pc) =	sbr.rel @p1 .LBB2_21-.Ltmp18, $1  }
0x84: {  	_ =	sdelay $0x3  }
.LBB2_15:
.Ltmp19:
0x85: {  	(pc) =	sbr.rel .LBB2_21-.Ltmp19, $4  }
0x86: {  	s0 =	simm.s32 @p0 $0x80;
	s31 =	simm.s32 @p0 $0xBD00  }
0x87: {  	[tilespmem:s31], [sflag:$0x2] =	stream.indirect.gather @p0 [hbm4b:s5+s0], $0x40, s29, s0, $0xb8;
	[tilespmem:$0x1BD00] =	vst v63  }
0x88: {  	s0 =	simm.s32 @!p0 $0x80;
	s31 =	simm.s32 @!p0 $0xBD00  }
0x89: {  	[tilespmem:s31], [sflag:$0x2] =	stream.indirect.gather @!p0 [hbm4b:s4+s0], $0x40, s29, s0, $0xb8;
	[tilespmem:$0x1BD00] =	vst v63  }
.LBB2_10:
0x8a: {  	p1 =	sgt.u32 s30, $0x99  }
.Ltmp20:
0x8b: {  	_ = 	snop;
	(pc) =	sbr.rel @p1 .LBB2_21-.Ltmp20, $1  }
0x8c: {  	_ =	sdelay $0x3  }
.LBB2_11:
.Ltmp21:
0x8d: {  	(pc) =	sbr.rel .LBB2_21-.Ltmp21, $4  }
0x8e: {  	s0 =	simm.s32 @p0 $0x80;
	s31 =	simm.s32 @p0 $0x9D00  }
0x8f: {  	[tilespmem:s31], [sflag:$0x1] =	stream.indirect.gather @p0 [hbm4b:s5+s0], $0x40, s29, s0, $0xb8;
	[tilespmem:$0x1BD00] =	vst v63  }
0x90: {  	s0 =	simm.s32 @!p0 $0x80;
	s31 =	simm.s32 @!p0 $0x9D00  }
0x91: {  	[tilespmem:s31], [sflag:$0x1] =	stream.indirect.gather @!p0 [hbm4b:s4+s0], $0x40, s29, s0, $0xb8;
	[tilespmem:$0x1BD00] =	vst v63  }
.LBB2_23:
0x92: {  	_ =	sfence.sel $0x180000  }
0x93: {  	[bflag:$0x0] =	sbarrier.arrive $0xFFFF  }
0x94: {  	_ =	strace $0x9000004A  }
0x95: {  	[bflag:$0x2] =	sbarrier.arrive $0xFFFF  }
0x96: {  	p0 =	sne.s32 s2, $0x0;
	s0 =	rddreg [dreg:$0x2]  }
0x97: {  	s0 =	sadd.s32 @!p0 $0x100000, s0  }
0x98: {  	[sflag:s0] =	ssyncadd.tile.s32 @!p0 $0x1;
	_ =	shalt  }
.Lfunc_end2:
_tile_overlayer_lowered:
.L_overlay_start_2:
0x99: {  	(tag) =	ssettag $0x2  }
0x9a: {  	s0 =	rddreg [dreg:$0x0];
	s2 =	stileid.u32  }
0x9b: {  	s1 =	rddreg [dreg:$0x1];
	p0 =	sne.s32 s2, $0x0  }
0x9c: {  	s3 =	rddreg [dreg:$0x2];
	[bflag:$0x3] =	sbarrier.arrive $0xFFFF;
	s2 =	simm.s32 @!p0 $0x1C05  }
0x9d: {  	[timem:s3], [sflag:s2] =	dma.local @!p0 [hbm:s0], s1  }
0x9e: {  	s0 =	simm.s32 @!p0 $0x5  }
0x9f: {  	_ =	swait.ge @!p0 [sflag:s0], s1  }
0xa0: {  	s1 =	ssub.s32 @!p0 $0x0, s1;
	[sflag:s0] =	ssyncset.done @!p0 $0x0  }
0xa1: {  	[sflag:s0] =	ssyncadd.s32 @!p0 s1  }
0xa2: {  	[bflag:$0x3] =	sbarrier.arrive $0xFFFF  }
0xa3: {  	_ =	shalt  }

</sc_bundles>
